<compile_context>
chip_gen: v7x
topology: tpu7x:2x2x1
jax: 0.10.2.dev20260603
libtpu: 0.0.44.dev20260713+nightly
codegen_flags: <defaults>
</compile_context>

<pallas_src>
import functools

import jax
import jax.numpy as jnp
from jax import lax
from jax.experimental import pallas as pl
from jax.experimental.pallas import tpu as pltpu
from jax.experimental.pallas import tpu_sc as plsc

N = 10000
D = 128
DP = 144
E = 320000
NC, NS = 2, 16
NW = NC * NS
EPW = E // NW
CHUNK = 80
NCHUNK = EPW // CHUNK
CW = 16
ZP = 10240
RPS = ZP // NS


def _make_agg(chunk, nbuf, count):
    mesh = plsc.VectorSubcoreMesh(core_axis_name="c", subcore_axis_name="s")
    nchunk = EPW // chunk
    out_type = jax.ShapeDtypeStruct((NC, ZP, D), jnp.float32)
    scratch = [
        pltpu.VMEM((EPW,), jnp.int32),
        pltpu.VMEM((EPW,), jnp.int32),
        [pltpu.VMEM((chunk, D), jnp.float32)] * nbuf,
        pltpu.VMEM_SHARED((ZP, D), jnp.float32),
        [pltpu.SemaphoreType.DMA] * nbuf,
    ]
    if count:
        out_type = (out_type, jax.ShapeDtypeStruct((NC, ZP, CW), jnp.float32))
        scratch += [
            pltpu.VMEM((chunk, CW), jnp.float32),
            pltpu.VMEM_SHARED((ZP, CW), jnp.float32),
        ]

    @functools.partial(pl.kernel, out_type=out_type, mesh=mesh,
                       compiler_params=pltpu.CompilerParams(
                           use_tc_tiling_on_sc=False),
                       scratch_types=scratch)
    def agg(table_hbm, src_hbm, dst_hbm, *rest):
        if count:
            (outf_hbm, outc_hbm, sidx_v, didx_v, rows, acc_sh, gsem,
             ones_v, cnt_sh) = rest
        else:
            outf_hbm, sidx_v, didx_v, rows, acc_sh, gsem = rest
        rows_a = rows[0]
        cid = lax.axis_index("c")
        sid = lax.axis_index("s")
        wid = sid * NC + cid

        @pl.loop(0, chunk)
        def _(r):
            @pl.loop(0, D, step=16)
            def _(j):
                rows_a[r, pl.ds(j, 16)] = jnp.zeros((16,), jnp.float32)

        base = pl.multiple_of(sid * RPS, 8)

        @pl.loop(0, RPS // chunk)
        def _(k):
            pltpu.sync_copy(
                rows_a, acc_sh.at[pl.ds(pl.multiple_of(base + k * chunk, 8), chunk)])

        if count:
            e0 = jnp.where(lax.iota(jnp.int32, 16) == 0,
                           jnp.float32(1.0), jnp.float32(0.0))

            @pl.loop(0, chunk)
            def _(r):
                ones_v[r, pl.ds(0, 16)] = e0

            @pl.loop(0, RPS // chunk)
            def _(k):
                pltpu.sync_copy(
                    rows_a.at[pl.ds(0, chunk), pl.ds(0, CW)],
                    cnt_sh.at[pl.ds(pl.multiple_of(base + k * chunk, 8), chunk)])

        plsc.subcore_barrier()

        pltpu.sync_copy(src_hbm.at[pl.ds(wid * EPW, EPW)], sidx_v)
        pltpu.sync_copy(dst_hbm.at[pl.ds(wid * EPW, EPW)], didx_v)

        @pl.loop(0, nchunk // nbuf)
        def _(p):
            i0 = nbuf * p
            gs = [pltpu.async_copy(
                      table_hbm.at[sidx_v.at[pl.ds((i0 + k) * chunk, chunk)]],
                      rows[k], gsem[k]) for k in range(nbuf)]
            for k in range(nbuf):
                gs[k].wait()
                didx = didx_v.at[pl.ds((i0 + k) * chunk, chunk)]
                pltpu.sync_copy(rows[k], acc_sh.at[didx], add=True)
                if count:
                    pltpu.sync_copy(ones_v, cnt_sh.at[didx], add=True)

        for i in range((nchunk // nbuf) * nbuf, nchunk):
            didx = didx_v.at[pl.ds(i * chunk, chunk)]
            pltpu.sync_copy(table_hbm.at[sidx_v.at[pl.ds(i * chunk, chunk)]],
                            rows_a)
            pltpu.sync_copy(rows_a, acc_sh.at[didx], add=True)
            if count:
                pltpu.sync_copy(ones_v, cnt_sh.at[didx], add=True)

        plsc.subcore_barrier()
        pltpu.sync_copy(acc_sh.at[pl.ds(base, RPS)],
                        outf_hbm.at[cid].at[pl.ds(base, RPS)])
        if count:
            pltpu.sync_copy(cnt_sh.at[pl.ds(base, RPS)],
                            outc_hbm.at[cid].at[pl.ds(base, RPS)])

    return agg


C1, C2 = 40, 80
_agg_l1 = _make_agg(C1, 3, True)
_agg_l2 = _make_agg(C2, 2, False)


def _dense_body(transition):

    def body(cnt_ref, part_ref, xin_ref, wl_ref, bl_ref, wr_ref, gam_ref,
             bet_ref, out_ref):
        s = part_ref[0] + part_ref[1]
        cnt = cnt_ref[0, :, 0:1] + cnt_ref[1, :, 0:1]
        mean = s / jnp.maximum(cnt, 1.0)
        dn = (((1,), (1,)), ((), ()))
        out = (lax.dot_general(mean, wl_ref[...], dn,
                               preferred_element_type=jnp.float32)
               + bl_ref[...]
               + lax.dot_general(xin_ref[...], wr_ref[...], dn,
                                 preferred_element_type=jnp.float32))
        nrm = jnp.sqrt(jnp.sum(out * out, axis=1, keepdims=True))
        out = out / jnp.maximum(nrm, 1e-12)
        if transition:
            scale = gam_ref[...] * (1.0 / jnp.sqrt(jnp.float32(1.0 + 1e-5)))
            out = jnp.maximum(out, 0.0) * scale + bet_ref[...]
        out_ref[...] = out

    return body


BLK = 2000


def _dense(cnt_part, part, xin, wl, bl, wr, gam, bet, transition):
    grid = (N // BLK,)
    return pl.pallas_call(
        _dense_body(transition),
        grid=grid,
        in_specs=[
            pl.BlockSpec((NC, BLK, CW), lambda i: (0, i, 0)),
            pl.BlockSpec((NC, BLK, D), lambda i: (0, i, 0)),
            pl.BlockSpec((BLK, D), lambda i: (i, 0)),
            pl.BlockSpec((D, D), lambda i: (0, 0)),
            pl.BlockSpec((1, D), lambda i: (0, 0)),
            pl.BlockSpec((D, D), lambda i: (0, 0)),
            pl.BlockSpec((1, D), lambda i: (0, 0)),
            pl.BlockSpec((1, D), lambda i: (0, 0)),
        ],
        out_specs=pl.BlockSpec((BLK, D), lambda i: (i, 0)),
        out_shape=jax.ShapeDtypeStruct((N, D), jnp.float32),
    )(cnt_part, part, xin, wl, bl, wr, gam, bet)


def kernel(x, edge_index, W1l, b1l, W1r, bn_gamma, bn_beta, W2l, b2l, W2r):
    src = edge_index[0].astype(jnp.int32)
    dst = edge_index[1].astype(jnp.int32)

    part1, cntp = _agg_l1(x, src, dst)
    h = _dense(cntp, part1, x, W1l, b1l.reshape(1, D), W1r,
               bn_gamma.reshape(1, D), bn_beta.reshape(1, D), True)
    part2 = _agg_l2(h, src, dst)
    out = _dense(cntp, part2, h, W2l, b2l.reshape(1, D), W2r,
                 bn_gamma.reshape(1, D), bn_beta.reshape(1, D), False)
    return out

# --- scband reference (transcript-rebuilt; emitter-appended) ---
"""Pipeline reference for scband-encoder-6356551598792 (READ-ONLY COPY).

The authoritative reference and input builder live on the scoring server;
editing this copy changes nothing except your own understanding.
"""

import jax, jax.numpy as jnp
import numpy as np

N_NODES = 10000
D = 128
N_EDGES = 320000


def _glorot(key, shape):
    fan_in, fan_out = shape[1], shape[0]
    limit = np.sqrt(6.0 / (fan_in + fan_out))
    return jax.random.uniform(key, shape, dtype=jnp.float32, minval=-limit, maxval=limit)


def setup_inputs(seed: int = 0) -> dict:
    key = jax.random.key(seed)
    ks = jax.random.split(key, 8)
    x = jax.random.normal(ks[0], (N_NODES, D), dtype=jnp.float32)
    edge_index = jax.random.randint(ks[1], (2, N_EDGES), 0, N_NODES, dtype=jnp.int64)
    return {
        'x': x,
        'edge_index': edge_index,
        'W1l': _glorot(ks[2], (D, D)),
        'b1l': jnp.zeros((D,), dtype=jnp.float32),
        'W1r': _glorot(ks[3], (D, D)),
        'bn_gamma': jnp.ones((D,), dtype=jnp.float32),
        'bn_beta': jnp.zeros((D,), dtype=jnp.float32),
        'W2l': _glorot(ks[4], (D, D)),
        'b2l': jnp.zeros((D,), dtype=jnp.float32),
        'W2r': _glorot(ks[5], (D, D)),
    }


def _sage_conv(x, edge_index, Wl, bl, Wr, num_nodes):
    # PyG SAGEConv with aggr='mean', normalize=True
    src = edge_index[0]
    dst = edge_index[1]
    msg = jnp.take(x, src, axis=0)                          # gather
    summed = jax.ops.segment_sum(msg, dst, num_segments=num_nodes)  # scatter-add
    cnt = jax.ops.segment_sum(jnp.ones((msg.shape[0],), dtype=x.dtype), dst, num_segments=num_nodes)
    mean = summed / jnp.clip(cnt, 1.0, None)[:, None]
    out = mean @ Wl.T + bl + x @ Wr.T
    norm = jnp.linalg.norm(out, axis=-1, keepdims=True)
    out = out / jnp.maximum(norm, 1e-12)
    return out


def reference(x, edge_index, W1l, b1l, W1r, bn_gamma, bn_beta, W2l, b2l, W2r):
    h = _sage_conv(x, edge_index, W1l, b1l, W1r, N_NODES)
    # transition: ReLU -> BatchNorm1d (eval mode: running_mean=0, running_var=1) -> Dropout (eval: identity)
    h = jax.nn.relu(h)
    eps = 1e-5
    h = (h - 0.0) / jnp.sqrt(1.0 + eps) * bn_gamma + bn_beta
    h = _sage_conv(h, edge_index, W2l, b2l, W2r, N_NODES)
    return h

if __name__ == "__main__":
    import jax
    _d = setup_inputs()
    print(jax.jit(kernel)(*tuple(_d.values())))

</pallas_src>

<mosaic_0001>
#map = affine_map<(d0, d1) -> (0, 0)>
#map1 = affine_map<(d0, d1) -> (0)>
#map2 = affine_map<(d0, d1) -> (0, 0, 0)>
module attributes {stable_mosaic.version = 14 : i64} {
  func.func @agg(%arg0: i32, %arg1: i32, %arg2: memref<10000x128xf32, #tpu.memory_space<hbm>>, %arg3: memref<320000xi32, #tpu.memory_space<hbm>>, %arg4: memref<320000xi32, #tpu.memory_space<hbm>>, %arg5: memref<2x10240x128xf32, #tpu.memory_space<hbm>>, %arg6: memref<2x10240x16xf32, #tpu.memory_space<hbm>>, %arg7: memref<10000xi32, #tpu.memory_space<vmem>>, %arg8: memref<10000xi32, #tpu.memory_space<vmem>>, %arg9: memref<40x128xf32, #tpu.memory_space<vmem>>, %arg10: memref<40x128xf32, #tpu.memory_space<vmem>>, %arg11: memref<40x128xf32, #tpu.memory_space<vmem>>, %arg12: memref<10240x128xf32, #tpu.memory_space<vmem_shared>>, %arg13: memref<!tpu.dma_semaphore, #tpu.memory_space<semaphore_mem>>, %arg14: memref<!tpu.dma_semaphore, #tpu.memory_space<semaphore_mem>>, %arg15: memref<!tpu.dma_semaphore, #tpu.memory_space<semaphore_mem>>, %arg16: memref<40x16xf32, #tpu.memory_space<vmem>>, %arg17: memref<10240x16xf32, #tpu.memory_space<vmem_shared>>) attributes {dimension_semantics = [#tpu.dimension_semantics<core_parallel>, #tpu.dimension_semantics<subcore_parallel>], iteration_bounds = array<i64: 2, 16>, scalar_prefetch = 0 : i64, scratch_operands = 11 : i64, tpu.core_type = #tpu.core_type<sc_vector_subcore>, window_params = [{transform_indices = #map}, {transform_indices = #map1}, {transform_indices = #map1}, {transform_indices = #map2}, {transform_indices = #map2}]} {
    %mul3A = arith.constant 2 : i32
    %mul3A_0 = arith.muli %arg1, %mul3A : i32
    %add3A = arith.addi %mul3A_0, %arg0 : i32
    %scan3A = arith.constant 0 : i32
    %scan3A_1 = arith.constant 40 : i32
    %scan3A_2 = arith.addi %scan3A, %scan3A_1 : i32
    %scan3A_3 = arith.constant 1 : i32
    scf.for %scan3A_36 = %scan3A to %scan3A_2 step %scan3A_3  : i32 {
      %mul3A_37 = arith.constant 1 : i32
      %mul3A_38 = arith.muli %scan3A_36, %mul3A_37 : i32
      %add3A_39 = arith.constant 0 : i32
      %add3A_40 = arith.addi %add3A_39, %mul3A_38 : i32
      %scan3A_41 = arith.constant 0 : i32
      %scan3A_42 = arith.constant 8 : i32
      %scan3A_43 = arith.addi %scan3A_41, %scan3A_42 : i32
      %scan3A_44 = arith.constant 1 : i32
      scf.for %scan3A_46 = %scan3A_41 to %scan3A_43 step %scan3A_44  : i32 {
        %mul3A_47 = arith.constant 16 : i32
        %mul3A_48 = arith.muli %scan3A_46, %mul3A_47 : i32
        %add3A_49 = arith.constant 0 : i32
        %add3A_50 = arith.addi %add3A_49, %mul3A_48 : i32
        %broadcast_in_dim3A_51 = arith.constant 0.000000e+00 : f32
        %broadcast_in_dim3A_52 = vector.broadcast %broadcast_in_dim3A_51 : f32 to vector<16xf32>
        %swap3A = arith.index_cast %add3A_40 : i32 to index
        %swap3A_53 = arith.index_cast %add3A_50 : i32 to index
        %swap3A_54 = tpu.vector_load %arg9[%swap3A, %swap3A_53] {strides = array<i32>} : memref<40x128xf32, #tpu.memory_space<vmem>>, vector<1x16xf32>,
        %swap3A_55 = vector.shape_cast %swap3A_54 : vector<1x16xf32> to vector<16xf32>
        %swap3A_56 = vector.shape_cast %broadcast_in_dim3A_52 : vector<16xf32> to vector<1x16xf32>
        tpu.vector_store %arg9[%swap3A, %swap3A_53], %swap3A_56 {strides = array<i32>} : memref<40x128xf32, #tpu.memory_space<vmem>>, vector<1x16xf32>,
      }
      %scan3A_45 = arith.constant 8 : i32
    }
    %scan3A_4 = arith.constant 40 : i32
    %mul3A_5 = arith.constant 640 : i32
    %mul3A_6 = arith.muli %arg1, %mul3A_5 : i32
    %multiple_of3A = tpu.assume_multiple %mul3A_6, 8 : i32
    %scan3A_7 = arith.constant 0 : i32
    %scan3A_8 = arith.constant 16 : i32
    %scan3A_9 = arith.addi %scan3A_7, %scan3A_8 : i32
    %scan3A_10 = arith.constant 1 : i32
    scf.for %scan3A_36 = %scan3A_7 to %scan3A_9 step %scan3A_10  : i32 {
      %mul3A_37 = arith.constant 1 : i32
      %mul3A_38 = arith.muli %scan3A_36, %mul3A_37 : i32
      %add3A_39 = arith.constant 0 : i32
      %add3A_40 = arith.addi %add3A_39, %mul3A_38 : i32
      %mul3A_41 = arith.constant 40 : i32
      %mul3A_42 = arith.muli %add3A_40, %mul3A_41 : i32
      %add3A_43 = arith.addi %multiple_of3A, %mul3A_42 : i32
      %multiple_of3A_44 = tpu.assume_multiple %add3A_43, 8 : i32
      "tpu.region"() ({
        %run_scoped3A = tpu.sem_alloc : memref<!tpu.dma_semaphore, #tpu.memory_space<semaphore_mem>>
        %dma_start3A = arith.constant 0 : i32
        %dma_start3A_45 = tpu.memref_slice %arg12[%multiple_of3A_44, %dma_start3A] : memref<10240x128xf32, #tpu.memory_space<vmem_shared>> -> memref<40x128xf32, #tpu.memory_space<vmem_shared>>
        %dma_start3A_46 = arith.constant 0 : i32
        %dma_start3A_47 = tpu.memref_slice %arg12[%multiple_of3A_44, %dma_start3A_46] : memref<10240x128xf32, #tpu.memory_space<vmem_shared>> -> memref<40x128xf32, #tpu.memory_space<vmem_shared>>
        tpu.enqueue_dma source(%arg9 : memref<40x128xf32, #tpu.memory_space<vmem>>) target(%dma_start3A_47 : memref<40x128xf32, #tpu.memory_space<vmem_shared>>) target_semaphore(%run_scoped3A : memref<!tpu.dma_semaphore, #tpu.memory_space<semaphore_mem>>)
        %dma_wait3A = arith.constant 0 : i32
        %dma_wait3A_48 = tpu.memref_slice %arg12[%multiple_of3A_44, %dma_wait3A] : memref<10240x128xf32, #tpu.memory_space<vmem_shared>> -> memref<40x128xf32, #tpu.memory_space<vmem_shared>>
        %dma_wait3A_49 = arith.constant 0 : i32
        %dma_wait3A_50 = tpu.memref_slice %arg12[%multiple_of3A_44, %dma_wait3A_49] : memref<10240x128xf32, #tpu.memory_space<vmem_shared>> -> memref<40x128xf32, #tpu.memory_space<vmem_shared>>
        tpu.wait_dma2 semaphore(%run_scoped3A : memref<!tpu.dma_semaphore, #tpu.memory_space<semaphore_mem>>) src(%arg9 : memref<40x128xf32, #tpu.memory_space<vmem>>) dst(%dma_wait3A_50 : memref<40x128xf32, #tpu.memory_space<vmem_shared>>)
        tpu.yield
      }) : () -> ()
    }
    %scan3A_11 = arith.constant 16 : i32
    %iota3A = tpu.iota {dimensions = array<i32: 0>} : vector<16xi32>
    %eq3A = arith.constant 0 : i32
    %eq3A_12 = vector.broadcast %eq3A : i32 to vector<16xi32>
    %eq3A_13 = arith.cmpi eq, %iota3A, %eq3A_12 : vector<16xi32>
    %jit3A = arith.constant 1.000000e+00 : f32
    %jit3A_14 = arith.constant 0.000000e+00 : f32
    %broadcast_in_dim3A = vector.broadcast %jit3A : f32 to vector<16xf32>
    %broadcast_in_dim3A_15 = vector.broadcast %jit3A_14 : f32 to vector<16xf32>
    %select_n3A = arith.select %eq3A_13, %broadcast_in_dim3A, %broadcast_in_dim3A_15 : vector<16xi1>, vector<16xf32>
    %scan3A_16 = arith.constant 0 : i32
    %scan3A_17 = arith.constant 40 : i32
    %scan3A_18 = arith.addi %scan3A_16, %scan3A_17 : i32
    %scan3A_19 = arith.constant 1 : i32
    scf.for %scan3A_36 = %scan3A_16 to %scan3A_18 step %scan3A_19  : i32 {
      %mul3A_37 = arith.constant 1 : i32
      %mul3A_38 = arith.muli %scan3A_36, %mul3A_37 : i32
      %add3A_39 = arith.constant 0 : i32
      %add3A_40 = arith.addi %add3A_39, %mul3A_38 : i32
      %swap3A = arith.index_cast %add3A_40 : i32 to index
      %swap3A_41 = arith.constant 0 : index
      %swap3A_42 = tpu.vector_load %arg16[%swap3A, %swap3A_41] {strides = array<i32>} : memref<40x16xf32, #tpu.memory_space<vmem>>, vector<1x16xf32>,
      %swap3A_43 = vector.shape_cast %swap3A_42 : vector<1x16xf32> to vector<16xf32>
      %swap3A_44 = vector.shape_cast %select_n3A : vector<16xf32> to vector<1x16xf32>
      tpu.vector_store %arg16[%swap3A, %swap3A_41], %swap3A_44 {strides = array<i32>} : memref<40x16xf32, #tpu.memory_space<vmem>>, vector<1x16xf32>,
    }
    %scan3A_20 = arith.constant 40 : i32
    %scan3A_21 = arith.constant 0 : i32
    %scan3A_22 = arith.constant 16 : i32
    %scan3A_23 = arith.addi %scan3A_21, %scan3A_22 : i32
    %scan3A_24 = arith.constant 1 : i32
    scf.for %scan3A_36 = %scan3A_21 to %scan3A_23 step %scan3A_24  : i32 {
      %mul3A_37 = arith.constant 1 : i32
      %mul3A_38 = arith.muli %scan3A_36, %mul3A_37 : i32
      %add3A_39 = arith.constant 0 : i32
      %add3A_40 = arith.addi %add3A_39, %mul3A_38 : i32
      %mul3A_41 = arith.constant 40 : i32
      %mul3A_42 = arith.muli %add3A_40, %mul3A_41 : i32
      %add3A_43 = arith.addi %multiple_of3A, %mul3A_42 : i32
      %multiple_of3A_44 = tpu.assume_multiple %add3A_43, 8 : i32
      "tpu.region"() ({
        %run_scoped3A = tpu.sem_alloc : memref<!tpu.dma_semaphore, #tpu.memory_space<semaphore_mem>>
        %dma_start3A = arith.constant 0 : i32
        %dma_start3A_45 = arith.constant 0 : i32
        %dma_start3A_46 = tpu.memref_slice %arg9[%dma_start3A, %dma_start3A_45] : memref<40x128xf32, #tpu.memory_space<vmem>> -> memref<40x16xf32, #tpu.memory_space<vmem>>
        %dma_start3A_47 = arith.constant 0 : i32
        %dma_start3A_48 = tpu.memref_slice %arg17[%multiple_of3A_44, %dma_start3A_47] : memref<10240x16xf32, #tpu.memory_space<vmem_shared>> -> memref<40x16xf32, #tpu.memory_space<vmem_shared>>
        %dma_start3A_49 = arith.constant 0 : i32
        %dma_start3A_50 = tpu.memref_slice %arg17[%multiple_of3A_44, %dma_start3A_49] : memref<10240x16xf32, #tpu.memory_space<vmem_shared>> -> memref<40x16xf32, #tpu.memory_space<vmem_shared>>
        %dma_start3A_51 = arith.constant 0 : i32
        %dma_start3A_52 = arith.constant 0 : i32
        %dma_start3A_53 = tpu.memref_slice %arg9[%dma_start3A_51, %dma_start3A_52] : memref<40x128xf32, #tpu.memory_space<vmem>> -> memref<40x16xf32, #tpu.memory_space<vmem>>
        tpu.enqueue_dma source(%dma_start3A_53 : memref<40x16xf32, #tpu.memory_space<vmem>>) target(%dma_start3A_50 : memref<40x16xf32, #tpu.memory_space<vmem_shared>>) target_semaphore(%run_scoped3A : memref<!tpu.dma_semaphore, #tpu.memory_space<semaphore_mem>>)
        %dma_wait3A = arith.constant 0 : i32
        %dma_wait3A_54 = arith.constant 0 : i32
        %dma_wait3A_55 = tpu.memref_slice %arg9[%dma_wait3A, %dma_wait3A_54] : memref<40x128xf32, #tpu.memory_space<vmem>> -> memref<40x16xf32, #tpu.memory_space<vmem>>
        %dma_wait3A_56 = arith.constant 0 : i32
        %dma_wait3A_57 = tpu.memref_slice %arg17[%multiple_of3A_44, %dma_wait3A_56] : memref<10240x16xf32, #tpu.memory_space<vmem_shared>> -> memref<40x16xf32, #tpu.memory_space<vmem_shared>>
        %dma_wait3A_58 = arith.constant 0 : i32
        %dma_wait3A_59 = tpu.memref_slice %arg17[%multiple_of3A_44, %dma_wait3A_58] : memref<10240x16xf32, #tpu.memory_space<vmem_shared>> -> memref<40x16xf32, #tpu.memory_space<vmem_shared>>
        %dma_wait3A_60 = arith.constant 0 : i32
        %dma_wait3A_61 = arith.constant 0 : i32
        %dma_wait3A_62 = tpu.memref_slice %arg9[%dma_wait3A_60, %dma_wait3A_61] : memref<40x128xf32, #tpu.memory_space<vmem>> -> memref<40x16xf32, #tpu.memory_space<vmem>>
        tpu.wait_dma2 semaphore(%run_scoped3A : memref<!tpu.dma_semaphore, #tpu.memory_space<semaphore_mem>>) src(%dma_wait3A_62 : memref<40x16xf32, #tpu.memory_space<vmem>>) dst(%dma_wait3A_59 : memref<40x16xf32, #tpu.memory_space<vmem_shared>>)
        tpu.yield
      }) : () -> ()
    }
    %scan3A_25 = arith.constant 16 : i32
    %barrier3A = arith.constant 0 : index
    tpu.barrier barrier_id(%barrier3A)
    %mul3A_26 = arith.constant 10000 : i32
    %mul3A_27 = arith.muli %add3A, %mul3A_26 : i32
    "tpu.region"() ({
      %run_scoped3A = tpu.sem_alloc : memref<!tpu.dma_semaphore, #tpu.memory_space<semaphore_mem>>
      %dma_start3A = tpu.memref_slice %arg3[%mul3A_27] : memref<320000xi32, #tpu.memory_space<hbm>> -> memref<10000xi32, #tpu.memory_space<hbm>>
      %dma_start3A_36 = tpu.memref_slice %arg3[%mul3A_27] : memref<320000xi32, #tpu.memory_space<hbm>> -> memref<10000xi32, #tpu.memory_space<hbm>>
      tpu.enqueue_dma source(%dma_start3A_36 : memref<10000xi32, #tpu.memory_space<hbm>>) target(%arg7 : memref<10000xi32, #tpu.memory_space<vmem>>) target_semaphore(%run_scoped3A : memref<!tpu.dma_semaphore, #tpu.memory_space<semaphore_mem>>)
      %dma_wait3A = tpu.memref_slice %arg3[%mul3A_27] : memref<320000xi32, #tpu.memory_space<hbm>> -> memref<10000xi32, #tpu.memory_space<hbm>>
      %dma_wait3A_37 = tpu.memref_slice %arg3[%mul3A_27] : memref<320000xi32, #tpu.memory_space<hbm>> -> memref<10000xi32, #tpu.memory_space<hbm>>
      tpu.wait_dma2 semaphore(%run_scoped3A : memref<!tpu.dma_semaphore, #tpu.memory_space<semaphore_mem>>) src(%dma_wait3A_37 : memref<10000xi32, #tpu.memory_space<hbm>>) dst(%arg7 : memref<10000xi32, #tpu.memory_space<vmem>>)
      tpu.yield
    }) : () -> ()
    %mul3A_28 = arith.constant 10000 : i32
    %mul3A_29 = arith.muli %add3A, %mul3A_28 : i32
    "tpu.region"() ({
      %run_scoped3A = tpu.sem_alloc : memref<!tpu.dma_semaphore, #tpu.memory_space<semaphore_mem>>
      %dma_start3A = tpu.memref_slice %arg4[%mul3A_29] : memref<320000xi32, #tpu.memory_space<hbm>> -> memref<10000xi32, #tpu.memory_space<hbm>>
      %dma_start3A_36 = tpu.memref_slice %arg4[%mul3A_29] : memref<320000xi32, #tpu.memory_space<hbm>> -> memref<10000xi32, #tpu.memory_space<hbm>>
      tpu.enqueue_dma source(%dma_start3A_36 : memref<10000xi32, #tpu.memory_space<hbm>>) target(%arg8 : memref<10000xi32, #tpu.memory_space<vmem>>) target_semaphore(%run_scoped3A : memref<!tpu.dma_semaphore, #tpu.memory_space<semaphore_mem>>)
      %dma_wait3A = tpu.memref_slice %arg4[%mul3A_29] : memref<320000xi32, #tpu.memory_space<hbm>> -> memref<10000xi32, #tpu.memory_space<hbm>>
      %dma_wait3A_37 = tpu.memref_slice %arg4[%mul3A_29] : memref<320000xi32, #tpu.memory_space<hbm>> -> memref<10000xi32, #tpu.memory_space<hbm>>
      tpu.wait_dma2 semaphore(%run_scoped3A : memref<!tpu.dma_semaphore, #tpu.memory_space<semaphore_mem>>) src(%dma_wait3A_37 : memref<10000xi32, #tpu.memory_space<hbm>>) dst(%arg8 : memref<10000xi32, #tpu.memory_space<vmem>>)
      tpu.yield
    }) : () -> ()
    %scan3A_30 = arith.constant 0 : i32
    %scan3A_31 = arith.constant 83 : i32
    %scan3A_32 = arith.addi %scan3A_30, %scan3A_31 : i32
    %scan3A_33 = arith.constant 1 : i32
    scf.for %scan3A_36 = %scan3A_30 to %scan3A_32 step %scan3A_33  : i32 {
      %mul3A_37 = arith.constant 1 : i32
      %mul3A_38 = arith.muli %scan3A_36, %mul3A_37 : i32
      %add3A_39 = arith.constant 0 : i32
      %add3A_40 = arith.addi %add3A_39, %mul3A_38 : i32
      %mul3A_41 = arith.constant 3 : i32
      %mul3A_42 = arith.muli %mul3A_41, %add3A_40 : i32
      %add3A_43 = arith.constant 0 : i32
      %add3A_44 = arith.addi %mul3A_42, %add3A_43 : i32
      %mul3A_45 = arith.constant 40 : i32
      %mul3A_46 = arith.muli %add3A_44, %mul3A_45 : i32
      %dma_start3A = tpu.memref_slice %arg7[%mul3A_46] : memref<10000xi32, #tpu.memory_space<vmem>> -> memref<40xi32, #tpu.memory_space<vmem>>
      %dma_start3A_47 = arith.constant 0 : i32
      %dma_start3A_48 = arith.constant 0 : i32
      %dma_start3A_49 = tpu.memref_slice %arg2[%dma_start3A_47, %dma_start3A_48] : memref<10000x128xf32, #tpu.memory_space<hbm>> -> memref<10000x128xf32, #tpu.memory_space<hbm>>
      tpu.enqueue_indirect_dma source(%dma_start3A_49 : memref<10000x128xf32, #tpu.memory_space<hbm>>) target(%arg9 : memref<40x128xf32, #tpu.memory_space<vmem>>) offsets(%dma_start3A : memref<40xi32, #tpu.memory_space<vmem>>) semaphore(%arg13 : memref<!tpu.dma_semaphore, #tpu.memory_space<semaphore_mem>>)
      %add3A_50 = arith.constant 1 : i32
      %add3A_51 = arith.addi %mul3A_42, %add3A_50 : i32
      %mul3A_52 = arith.constant 40 : i32
      %mul3A_53 = arith.muli %add3A_51, %mul3A_52 : i32
      %dma_start3A_54 = tpu.memref_slice %arg7[%mul3A_53] : memref<10000xi32, #tpu.memory_space<vmem>> -> memref<40xi32, #tpu.memory_space<vmem>>
      %dma_start3A_55 = arith.constant 0 : i32
      %dma_start3A_56 = arith.constant 0 : i32
      %dma_start3A_57 = tpu.memref_slice %arg2[%dma_start3A_55, %dma_start3A_56] : memref<10000x128xf32, #tpu.memory_space<hbm>> -> memref<10000x128xf32, #tpu.memory_space<hbm>>
      tpu.enqueue_indirect_dma source(%dma_start3A_57 : memref<10000x128xf32, #tpu.memory_space<hbm>>) target(%arg10 : memref<40x128xf32, #tpu.memory_space<vmem>>) offsets(%dma_start3A_54 : memref<40xi32, #tpu.memory_space<vmem>>) semaphore(%arg14 : memref<!tpu.dma_semaphore, #tpu.memory_space<semaphore_mem>>)
      %add3A_58 = arith.constant 2 : i32
      %add3A_59 = arith.addi %mul3A_42, %add3A_58 : i32
      %mul3A_60 = arith.constant 40 : i32
      %mul3A_61 = arith.muli %add3A_59, %mul3A_60 : i32
      %dma_start3A_62 = tpu.memref_slice %arg7[%mul3A_61] : memref<10000xi32, #tpu.memory_space<vmem>> -> memref<40xi32, #tpu.memory_space<vmem>>
      %dma_start3A_63 = arith.constant 0 : i32
      %dma_start3A_64 = arith.constant 0 : i32
      %dma_start3A_65 = tpu.memref_slice %arg2[%dma_start3A_63, %dma_start3A_64] : memref<10000x128xf32, #tpu.memory_space<hbm>> -> memref<10000x128xf32, #tpu.memory_space<hbm>>
      tpu.enqueue_indirect_dma source(%dma_start3A_65 : memref<10000x128xf32, #tpu.memory_space<hbm>>) target(%arg11 : memref<40x128xf32, #tpu.memory_space<vmem>>) offsets(%dma_start3A_62 : memref<40xi32, #tpu.memory_space<vmem>>) semaphore(%arg15 : memref<!tpu.dma_semaphore, #tpu.memory_space<semaphore_mem>>)
      %dma_wait3A = tpu.memref_slice %arg7[%mul3A_46] : memref<10000xi32, #tpu.memory_space<vmem>> -> memref<40xi32, #tpu.memory_space<vmem>>
      %dma_wait3A_66 = arith.constant 0 : i32
      %dma_wait3A_67 = arith.constant 0 : i32
      %dma_wait3A_68 = tpu.memref_slice %arg2[%dma_wait3A_66, %dma_wait3A_67] : memref<10000x128xf32, #tpu.memory_space<hbm>> -> memref<10000x128xf32, #tpu.memory_space<hbm>>
      tpu.wait_indirect_dma semaphore(%arg13 : memref<!tpu.dma_semaphore, #tpu.memory_space<semaphore_mem>>) src(%dma_wait3A_68 : memref<10000x128xf32, #tpu.memory_space<hbm>>) dst(%arg9 : memref<40x128xf32, #tpu.memory_space<vmem>>)
      %add3A_69 = arith.constant 0 : i32
      %add3A_70 = arith.addi %mul3A_42, %add3A_69 : i32
      %mul3A_71 = arith.constant 40 : i32
      %mul3A_72 = arith.muli %add3A_70, %mul3A_71 : i32
      "tpu.region"() ({
        %run_scoped3A = tpu.sem_alloc : memref<!tpu.dma_semaphore, #tpu.memory_space<semaphore_mem>>
        %dma_start3A_89 = tpu.memref_slice %arg8[%mul3A_72] : memref<10000xi32, #tpu.memory_space<vmem>> -> memref<40xi32, #tpu.memory_space<vmem>>
        %dma_start3A_90 = arith.constant 0 : i32
        %dma_start3A_91 = arith.constant 0 : i32
        %dma_start3A_92 = tpu.memref_slice %arg12[%dma_start3A_90, %dma_start3A_91] : memref<10240x128xf32, #tpu.memory_space<vmem_shared>> -> memref<10240x128xf32, #tpu.memory_space<vmem_shared>>
        tpu.enqueue_indirect_dma source(%arg9 : memref<40x128xf32, #tpu.memory_space<vmem>>) target(%dma_start3A_92 : memref<10240x128xf32, #tpu.memory_space<vmem_shared>>) offsets(%dma_start3A_89 : memref<40xi32, #tpu.memory_space<vmem>>) semaphore(%run_scoped3A : memref<!tpu.dma_semaphore, #tpu.memory_space<semaphore_mem>>) {add = true}
        %dma_wait3A_93 = tpu.memref_slice %arg8[%mul3A_72] : memref<10000xi32, #tpu.memory_space<vmem>> -> memref<40xi32, #tpu.memory_space<vmem>>
        %dma_wait3A_94 = arith.constant 0 : i32
        %dma_wait3A_95 = arith.constant 0 : i32
        %dma_wait3A_96 = tpu.memref_slice %arg12[%dma_wait3A_94, %dma_wait3A_95] : memref<10240x128xf32, #tpu.memory_space<vmem_shared>> -> memref<10240x128xf32, #tpu.memory_space<vmem_shared>>
        tpu.wait_indirect_dma semaphore(%run_scoped3A : memref<!tpu.dma_semaphore, #tpu.memory_space<semaphore_mem>>) src(%arg9 : memref<40x128xf32, #tpu.memory_space<vmem>>) dst(%dma_wait3A_96 : memref<10240x128xf32, #tpu.memory_space<vmem_shared>>)
        tpu.yield
      }) : () -> ()
      "tpu.region"() ({
        %run_scoped3A = tpu.sem_alloc : memref<!tpu.dma_semaphore, #tpu.memory_space<semaphore_mem>>
        %dma_start3A_89 = tpu.memref_slice %arg8[%mul3A_72] : memref<10000xi32, #tpu.memory_space<vmem>> -> memref<40xi32, #tpu.memory_space<vmem>>
        %dma_start3A_90 = arith.constant 0 : i32
        %dma_start3A_91 = arith.constant 0 : i32
        %dma_start3A_92 = tpu.memref_slice %arg17[%dma_start3A_90, %dma_start3A_91] : memref<10240x16xf32, #tpu.memory_space<vmem_shared>> -> memref<10240x16xf32, #tpu.memory_space<vmem_shared>>
        tpu.enqueue_indirect_dma source(%arg16 : memref<40x16xf32, #tpu.memory_space<vmem>>) target(%dma_start3A_92 : memref<10240x16xf32, #tpu.memory_space<vmem_shared>>) offsets(%dma_start3A_89 : memref<40xi32, #tpu.memory_space<vmem>>) semaphore(%run_scoped3A : memref<!tpu.dma_semaphore, #tpu.memory_space<semaphore_mem>>) {add = true}
        %dma_wait3A_93 = tpu.memref_slice %arg8[%mul3A_72] : memref<10000xi32, #tpu.memory_space<vmem>> -> memref<40xi32, #tpu.memory_space<vmem>>
        %dma_wait3A_94 = arith.constant 0 : i32
        %dma_wait3A_95 = arith.constant 0 : i32
        %dma_wait3A_96 = tpu.memref_slice %arg17[%dma_wait3A_94, %dma_wait3A_95] : memref<10240x16xf32, #tpu.memory_space<vmem_shared>> -> memref<10240x16xf32, #tpu.memory_space<vmem_shared>>
        tpu.wait_indirect_dma semaphore(%run_scoped3A : memref<!tpu.dma_semaphore, #tpu.memory_space<semaphore_mem>>) src(%arg16 : memref<40x16xf32, #tpu.memory_space<vmem>>) dst(%dma_wait3A_96 : memref<10240x16xf32, #tpu.memory_space<vmem_shared>>)
        tpu.yield
      }) : () -> ()
      %dma_wait3A_73 = tpu.memref_slice %arg7[%mul3A_53] : memref<10000xi32, #tpu.memory_space<vmem>> -> memref<40xi32, #tpu.memory_space<vmem>>
      %dma_wait3A_74 = arith.constant 0 : i32
      %dma_wait3A_75 = arith.constant 0 : i32
      %dma_wait3A_76 = tpu.memref_slice %arg2[%dma_wait3A_74, %dma_wait3A_75] : memref<10000x128xf32, #tpu.memory_space<hbm>> -> memref<10000x128xf32, #tpu.memory_space<hbm>>
      tpu.wait_indirect_dma semaphore(%arg14 : memref<!tpu.dma_semaphore, #tpu.memory_space<semaphore_mem>>) src(%dma_wait3A_76 : memref<10000x128xf32, #tpu.memory_space<hbm>>) dst(%arg10 : memref<40x128xf32, #tpu.memory_space<vmem>>)
      %add3A_77 = arith.constant 1 : i32
      %add3A_78 = arith.addi %mul3A_42, %add3A_77 : i32
      %mul3A_79 = arith.constant 40 : i32
      %mul3A_80 = arith.muli %add3A_78, %mul3A_79 : i32
      "tpu.region"() ({
        %run_scoped3A = tpu.sem_alloc : memref<!tpu.dma_semaphore, #tpu.memory_space<semaphore_mem>>
        %dma_start3A_89 = tpu.memref_slice %arg8[%mul3A_80] : memref<10000xi32, #tpu.memory_space<vmem>> -> memref<40xi32, #tpu.memory_space<vmem>>
        %dma_start3A_90 = arith.constant 0 : i32
        %dma_start3A_91 = arith.constant 0 : i32
        %dma_start3A_92 = tpu.memref_slice %arg12[%dma_start3A_90, %dma_start3A_91] : memref<10240x128xf32, #tpu.memory_space<vmem_shared>> -> memref<10240x128xf32, #tpu.memory_space<vmem_shared>>
        tpu.enqueue_indirect_dma source(%arg10 : memref<40x128xf32, #tpu.memory_space<vmem>>) target(%dma_start3A_92 : memref<10240x128xf32, #tpu.memory_space<vmem_shared>>) offsets(%dma_start3A_89 : memref<40xi32, #tpu.memory_space<vmem>>) semaphore(%run_scoped3A : memref<!tpu.dma_semaphore, #tpu.memory_space<semaphore_mem>>) {add = true}
        %dma_wait3A_93 = tpu.memref_slice %arg8[%mul3A_80] : memref<10000xi32, #tpu.memory_space<vmem>> -> memref<40xi32, #tpu.memory_space<vmem>>
        %dma_wait3A_94 = arith.constant 0 : i32
        %dma_wait3A_95 = arith.constant 0 : i32
        %dma_wait3A_96 = tpu.memref_slice %arg12[%dma_wait3A_94, %dma_wait3A_95] : memref<10240x128xf32, #tpu.memory_space<vmem_shared>> -> memref<10240x128xf32, #tpu.memory_space<vmem_shared>>
        tpu.wait_indirect_dma semaphore(%run_scoped3A : memref<!tpu.dma_semaphore, #tpu.memory_space<semaphore_mem>>) src(%arg10 : memref<40x128xf32, #tpu.memory_space<vmem>>) dst(%dma_wait3A_96 : memref<10240x128xf32, #tpu.memory_space<vmem_shared>>)
        tpu.yield
      }) : () -> ()
      "tpu.region"() ({
        %run_scoped3A = tpu.sem_alloc : memref<!tpu.dma_semaphore, #tpu.memory_space<semaphore_mem>>
        %dma_start3A_89 = tpu.memref_slice %arg8[%mul3A_80] : memref<10000xi32, #tpu.memory_space<vmem>> -> memref<40xi32, #tpu.memory_space<vmem>>
        %dma_start3A_90 = arith.constant 0 : i32
        %dma_start3A_91 = arith.constant 0 : i32
        %dma_start3A_92 = tpu.memref_slice %arg17[%dma_start3A_90, %dma_start3A_91] : memref<10240x16xf32, #tpu.memory_space<vmem_shared>> -> memref<10240x16xf32, #tpu.memory_space<vmem_shared>>
        tpu.enqueue_indirect_dma source(%arg16 : memref<40x16xf32, #tpu.memory_space<vmem>>) target(%dma_start3A_92 : memref<10240x16xf32, #tpu.memory_space<vmem_shared>>) offsets(%dma_start3A_89 : memref<40xi32, #tpu.memory_space<vmem>>) semaphore(%run_scoped3A : memref<!tpu.dma_semaphore, #tpu.memory_space<semaphore_mem>>) {add = true}
        %dma_wait3A_93 = tpu.memref_slice %arg8[%mul3A_80] : memref<10000xi32, #tpu.memory_space<vmem>> -> memref<40xi32, #tpu.memory_space<vmem>>
        %dma_wait3A_94 = arith.constant 0 : i32
        %dma_wait3A_95 = arith.constant 0 : i32
        %dma_wait3A_96 = tpu.memref_slice %arg17[%dma_wait3A_94, %dma_wait3A_95] : memref<10240x16xf32, #tpu.memory_space<vmem_shared>> -> memref<10240x16xf32, #tpu.memory_space<vmem_shared>>
        tpu.wait_indirect_dma semaphore(%run_scoped3A : memref<!tpu.dma_semaphore, #tpu.memory_space<semaphore_mem>>) src(%arg16 : memref<40x16xf32, #tpu.memory_space<vmem>>) dst(%dma_wait3A_96 : memref<10240x16xf32, #tpu.memory_space<vmem_shared>>)
        tpu.yield
      }) : () -> ()
      %dma_wait3A_81 = tpu.memref_slice %arg7[%mul3A_61] : memref<10000xi32, #tpu.memory_space<vmem>> -> memref<40xi32, #tpu.memory_space<vmem>>
      %dma_wait3A_82 = arith.constant 0 : i32
      %dma_wait3A_83 = arith.constant 0 : i32
      %dma_wait3A_84 = tpu.memref_slice %arg2[%dma_wait3A_82, %dma_wait3A_83] : memref<10000x128xf32, #tpu.memory_space<hbm>> -> memref<10000x128xf32, #tpu.memory_space<hbm>>
      tpu.wait_indirect_dma semaphore(%arg15 : memref<!tpu.dma_semaphore, #tpu.memory_space<semaphore_mem>>) src(%dma_wait3A_84 : memref<10000x128xf32, #tpu.memory_space<hbm>>) dst(%arg11 : memref<40x128xf32, #tpu.memory_space<vmem>>)
      %add3A_85 = arith.constant 2 : i32
      %add3A_86 = arith.addi %mul3A_42, %add3A_85 : i32
      %mul3A_87 = arith.constant 40 : i32
      %mul3A_88 = arith.muli %add3A_86, %mul3A_87 : i32
      "tpu.region"() ({
        %run_scoped3A = tpu.sem_alloc : memref<!tpu.dma_semaphore, #tpu.memory_space<semaphore_mem>>
        %dma_start3A_89 = tpu.memref_slice %arg8[%mul3A_88] : memref<10000xi32, #tpu.memory_space<vmem>> -> memref<40xi32, #tpu.memory_space<vmem>>
        %dma_start3A_90 = arith.constant 0 : i32
        %dma_start3A_91 = arith.constant 0 : i32
        %dma_start3A_92 = tpu.memref_slice %arg12[%dma_start3A_90, %dma_start3A_91] : memref<10240x128xf32, #tpu.memory_space<vmem_shared>> -> memref<10240x128xf32, #tpu.memory_space<vmem_shared>>
        tpu.enqueue_indirect_dma source(%arg11 : memref<40x128xf32, #tpu.memory_space<vmem>>) target(%dma_start3A_92 : memref<10240x128xf32, #tpu.memory_space<vmem_shared>>) offsets(%dma_start3A_89 : memref<40xi32, #tpu.memory_space<vmem>>) semaphore(%run_scoped3A : memref<!tpu.dma_semaphore, #tpu.memory_space<semaphore_mem>>) {add = true}
        %dma_wait3A_93 = tpu.memref_slice %arg8[%mul3A_88] : memref<10000xi32, #tpu.memory_space<vmem>> -> memref<40xi32, #tpu.memory_space<vmem>>
        %dma_wait3A_94 = arith.constant 0 : i32
        %dma_wait3A_95 = arith.constant 0 : i32
        %dma_wait3A_96 = tpu.memref_slice %arg12[%dma_wait3A_94, %dma_wait3A_95] : memref<10240x128xf32, #tpu.memory_space<vmem_shared>> -> memref<10240x128xf32, #tpu.memory_space<vmem_shared>>
        tpu.wait_indirect_dma semaphore(%run_scoped3A : memref<!tpu.dma_semaphore, #tpu.memory_space<semaphore_mem>>) src(%arg11 : memref<40x128xf32, #tpu.memory_space<vmem>>) dst(%dma_wait3A_96 : memref<10240x128xf32, #tpu.memory_space<vmem_shared>>)
        tpu.yield
      }) : () -> ()
      "tpu.region"() ({
        %run_scoped3A = tpu.sem_alloc : memref<!tpu.dma_semaphore, #tpu.memory_space<semaphore_mem>>
        %dma_start3A_89 = tpu.memref_slice %arg8[%mul3A_88] : memref<10000xi32, #tpu.memory_space<vmem>> -> memref<40xi32, #tpu.memory_space<vmem>>
        %dma_start3A_90 = arith.constant 0 : i32
        %dma_start3A_91 = arith.constant 0 : i32
        %dma_start3A_92 = tpu.memref_slice %arg17[%dma_start3A_90, %dma_start3A_91] : memref<10240x16xf32, #tpu.memory_space<vmem_shared>> -> memref<10240x16xf32, #tpu.memory_space<vmem_shared>>
        tpu.enqueue_indirect_dma source(%arg16 : memref<40x16xf32, #tpu.memory_space<vmem>>) target(%dma_start3A_92 : memref<10240x16xf32, #tpu.memory_space<vmem_shared>>) offsets(%dma_start3A_89 : memref<40xi32, #tpu.memory_space<vmem>>) semaphore(%run_scoped3A : memref<!tpu.dma_semaphore, #tpu.memory_space<semaphore_mem>>) {add = true}
        %dma_wait3A_93 = tpu.memref_slice %arg8[%mul3A_88] : memref<10000xi32, #tpu.memory_space<vmem>> -> memref<40xi32, #tpu.memory_space<vmem>>
        %dma_wait3A_94 = arith.constant 0 : i32
        %dma_wait3A_95 = arith.constant 0 : i32
        %dma_wait3A_96 = tpu.memref_slice %arg17[%dma_wait3A_94, %dma_wait3A_95] : memref<10240x16xf32, #tpu.memory_space<vmem_shared>> -> memref<10240x16xf32, #tpu.memory_space<vmem_shared>>
        tpu.wait_indirect_dma semaphore(%run_scoped3A : memref<!tpu.dma_semaphore, #tpu.memory_space<semaphore_mem>>) src(%arg16 : memref<40x16xf32, #tpu.memory_space<vmem>>) dst(%dma_wait3A_96 : memref<10240x16xf32, #tpu.memory_space<vmem_shared>>)
        tpu.yield
      }) : () -> ()
    }
    %scan3A_34 = arith.constant 83 : i32
    "tpu.region"() ({
      %run_scoped3A = tpu.sem_alloc : memref<!tpu.dma_semaphore, #tpu.memory_space<semaphore_mem>>
      %dma_start3A = arith.constant 9960 : i32
      %dma_start3A_36 = tpu.memref_slice %arg7[%dma_start3A] : memref<10000xi32, #tpu.memory_space<vmem>> -> memref<40xi32, #tpu.memory_space<vmem>>
      %dma_start3A_37 = arith.constant 0 : i32
      %dma_start3A_38 = arith.constant 0 : i32
      %dma_start3A_39 = tpu.memref_slice %arg2[%dma_start3A_37, %dma_start3A_38] : memref<10000x128xf32, #tpu.memory_space<hbm>> -> memref<10000x128xf32, #tpu.memory_space<hbm>>
      tpu.enqueue_indirect_dma source(%dma_start3A_39 : memref<10000x128xf32, #tpu.memory_space<hbm>>) target(%arg9 : memref<40x128xf32, #tpu.memory_space<vmem>>) offsets(%dma_start3A_36 : memref<40xi32, #tpu.memory_space<vmem>>) semaphore(%run_scoped3A : memref<!tpu.dma_semaphore, #tpu.memory_space<semaphore_mem>>)
      %dma_wait3A = arith.constant 9960 : i32
      %dma_wait3A_40 = tpu.memref_slice %arg7[%dma_wait3A] : memref<10000xi32, #tpu.memory_space<vmem>> -> memref<40xi32, #tpu.memory_space<vmem>>
      %dma_wait3A_41 = arith.constant 0 : i32
      %dma_wait3A_42 = arith.constant 0 : i32
      %dma_wait3A_43 = tpu.memref_slice %arg2[%dma_wait3A_41, %dma_wait3A_42] : memref<10000x128xf32, #tpu.memory_space<hbm>> -> memref<10000x128xf32, #tpu.memory_space<hbm>>
      tpu.wait_indirect_dma semaphore(%run_scoped3A : memref<!tpu.dma_semaphore, #tpu.memory_space<semaphore_mem>>) src(%dma_wait3A_43 : memref<10000x128xf32, #tpu.memory_space<hbm>>) dst(%arg9 : memref<40x128xf32, #tpu.memory_space<vmem>>)
      tpu.yield
    }) : () -> ()
    "tpu.region"() ({
      %run_scoped3A = tpu.sem_alloc : memref<!tpu.dma_semaphore, #tpu.memory_space<semaphore_mem>>
      %dma_start3A = arith.constant 9960 : i32
      %dma_start3A_36 = tpu.memref_slice %arg8[%dma_start3A] : memref<10000xi32, #tpu.memory_space<vmem>> -> memref<40xi32, #tpu.memory_space<vmem>>
      %dma_start3A_37 = arith.constant 0 : i32
      %dma_start3A_38 = arith.constant 0 : i32
      %dma_start3A_39 = tpu.memref_slice %arg12[%dma_start3A_37, %dma_start3A_38] : memref<10240x128xf32, #tpu.memory_space<vmem_shared>> -> memref<10240x128xf32, #tpu.memory_space<vmem_shared>>
      tpu.enqueue_indirect_dma source(%arg9 : memref<40x128xf32, #tpu.memory_space<vmem>>) target(%dma_start3A_39 : memref<10240x128xf32, #tpu.memory_space<vmem_shared>>) offsets(%dma_start3A_36 : memref<40xi32, #tpu.memory_space<vmem>>) semaphore(%run_scoped3A : memref<!tpu.dma_semaphore, #tpu.memory_space<semaphore_mem>>) {add = true}
      %dma_wait3A = arith.constant 9960 : i32
      %dma_wait3A_40 = tpu.memref_slice %arg8[%dma_wait3A] : memref<10000xi32, #tpu.memory_space<vmem>> -> memref<40xi32, #tpu.memory_space<vmem>>
      %dma_wait3A_41 = arith.constant 0 : i32
      %dma_wait3A_42 = arith.constant 0 : i32
      %dma_wait3A_43 = tpu.memref_slice %arg12[%dma_wait3A_41, %dma_wait3A_42] : memref<10240x128xf32, #tpu.memory_space<vmem_shared>> -> memref<10240x128xf32, #tpu.memory_space<vmem_shared>>
      tpu.wait_indirect_dma semaphore(%run_scoped3A : memref<!tpu.dma_semaphore, #tpu.memory_space<semaphore_mem>>) src(%arg9 : memref<40x128xf32, #tpu.memory_space<vmem>>) dst(%dma_wait3A_43 : memref<10240x128xf32, #tpu.memory_space<vmem_shared>>)
      tpu.yield
    }) : () -> ()
    "tpu.region"() ({
      %run_scoped3A = tpu.sem_alloc : memref<!tpu.dma_semaphore, #tpu.memory_space<semaphore_mem>>
      %dma_start3A = arith.constant 9960 : i32
      %dma_start3A_36 = tpu.memref_slice %arg8[%dma_start3A] : memref<10000xi32, #tpu.memory_space<vmem>> -> memref<40xi32, #tpu.memory_space<vmem>>
      %dma_start3A_37 = arith.constant 0 : i32
      %dma_start3A_38 = arith.constant 0 : i32
      %dma_start3A_39 = tpu.memref_slice %arg17[%dma_start3A_37, %dma_start3A_38] : memref<10240x16xf32, #tpu.memory_space<vmem_shared>> -> memref<10240x16xf32, #tpu.memory_space<vmem_shared>>
      tpu.enqueue_indirect_dma source(%arg16 : memref<40x16xf32, #tpu.memory_space<vmem>>) target(%dma_start3A_39 : memref<10240x16xf32, #tpu.memory_space<vmem_shared>>) offsets(%dma_start3A_36 : memref<40xi32, #tpu.memory_space<vmem>>) semaphore(%run_scoped3A : memref<!tpu.dma_semaphore, #tpu.memory_space<semaphore_mem>>) {add = true}
      %dma_wait3A = arith.constant 9960 : i32
      %dma_wait3A_40 = tpu.memref_slice %arg8[%dma_wait3A] : memref<10000xi32, #tpu.memory_space<vmem>> -> memref<40xi32, #tpu.memory_space<vmem>>
      %dma_wait3A_41 = arith.constant 0 : i32
      %dma_wait3A_42 = arith.constant 0 : i32
      %dma_wait3A_43 = tpu.memref_slice %arg17[%dma_wait3A_41, %dma_wait3A_42] : memref<10240x16xf32, #tpu.memory_space<vmem_shared>> -> memref<10240x16xf32, #tpu.memory_space<vmem_shared>>
      tpu.wait_indirect_dma semaphore(%run_scoped3A : memref<!tpu.dma_semaphore, #tpu.memory_space<semaphore_mem>>) src(%arg16 : memref<40x16xf32, #tpu.memory_space<vmem>>) dst(%dma_wait3A_43 : memref<10240x16xf32, #tpu.memory_space<vmem_shared>>)
      tpu.yield
    }) : () -> ()
    %barrier3A_35 = arith.constant 0 : index
    tpu.barrier barrier_id(%barrier3A_35)
    "tpu.region"() ({
      %run_scoped3A = tpu.sem_alloc : memref<!tpu.dma_semaphore, #tpu.memory_space<semaphore_mem>>
      %dma_start3A = arith.constant 0 : i32
      %dma_start3A_36 = arith.constant 0 : i32
      %dma_start3A_37 = tpu.memref_slice %arg5[%arg0, %dma_start3A, %dma_start3A_36] : memref<2x10240x128xf32, #tpu.memory_space<hbm>> -> memref<1x10240x128xf32, #tpu.memory_space<hbm>>
      %dma_start3A_38 = tpu.memref_squeeze %dma_start3A_37 : memref<1x10240x128xf32, #tpu.memory_space<hbm>> -> memref<10240x128xf32, #tpu.memory_space<hbm>>
      %dma_start3A_39 = arith.constant 0 : i32
      %dma_start3A_40 = tpu.memref_slice %dma_start3A_38[%multiple_of3A, %dma_start3A_39] : memref<10240x128xf32, #tpu.memory_space<hbm>> -> memref<640x128xf32, #tpu.memory_space<hbm>>
      %dma_start3A_41 = arith.constant 0 : i32
      %dma_start3A_42 = tpu.memref_slice %arg12[%multiple_of3A, %dma_start3A_41] : memref<10240x128xf32, #tpu.memory_space<vmem_shared>> -> memref<640x128xf32, #tpu.memory_space<vmem_shared>>
      tpu.enqueue_dma source(%dma_start3A_42 : memref<640x128xf32, #tpu.memory_space<vmem_shared>>) target(%dma_start3A_40 : memref<640x128xf32, #tpu.memory_space<hbm>>) target_semaphore(%run_scoped3A : memref<!tpu.dma_semaphore, #tpu.memory_space<semaphore_mem>>)
      %dma_wait3A = arith.constant 0 : i32
      %dma_wait3A_43 = arith.constant 0 : i32
      %dma_wait3A_44 = tpu.memref_slice %arg5[%arg0, %dma_wait3A, %dma_wait3A_43] : memref<2x10240x128xf32, #tpu.memory_space<hbm>> -> memref<1x10240x128xf32, #tpu.memory_space<hbm>>
      %dma_wait3A_45 = tpu.memref_squeeze %dma_wait3A_44 : memref<1x10240x128xf32, #tpu.memory_space<hbm>> -> memref<10240x128xf32, #tpu.memory_space<hbm>>
      %dma_wait3A_46 = arith.constant 0 : i32
      %dma_wait3A_47 = tpu.memref_slice %dma_wait3A_45[%multiple_of3A, %dma_wait3A_46] : memref<10240x128xf32, #tpu.memory_space<hbm>> -> memref<640x128xf32, #tpu.memory_space<hbm>>
      %dma_wait3A_48 = arith.constant 0 : i32
      %dma_wait3A_49 = tpu.memref_slice %arg12[%multiple_of3A, %dma_wait3A_48] : memref<10240x128xf32, #tpu.memory_space<vmem_shared>> -> memref<640x128xf32, #tpu.memory_space<vmem_shared>>
      tpu.wait_dma2 semaphore(%run_scoped3A : memref<!tpu.dma_semaphore, #tpu.memory_space<semaphore_mem>>) src(%dma_wait3A_49 : memref<640x128xf32, #tpu.memory_space<vmem_shared>>) dst(%dma_wait3A_47 : memref<640x128xf32, #tpu.memory_space<hbm>>)
      tpu.yield
    }) : () -> ()
    "tpu.region"() ({
      %run_scoped3A = tpu.sem_alloc : memref<!tpu.dma_semaphore, #tpu.memory_space<semaphore_mem>>
      %dma_start3A = arith.constant 0 : i32
      %dma_start3A_36 = arith.constant 0 : i32
      %dma_start3A_37 = tpu.memref_slice %arg6[%arg0, %dma_start3A, %dma_start3A_36] : memref<2x10240x16xf32, #tpu.memory_space<hbm>> -> memref<1x10240x16xf32, #tpu.memory_space<hbm>>
      %dma_start3A_38 = tpu.memref_squeeze %dma_start3A_37 : memref<1x10240x16xf32, #tpu.memory_space<hbm>> -> memref<10240x16xf32, #tpu.memory_space<hbm>>
      %dma_start3A_39 = arith.constant 0 : i32
      %dma_start3A_40 = tpu.memref_slice %dma_start3A_38[%multiple_of3A, %dma_start3A_39] : memref<10240x16xf32, #tpu.memory_space<hbm>> -> memref<640x16xf32, #tpu.memory_space<hbm>>
      %dma_start3A_41 = arith.constant 0 : i32
      %dma_start3A_42 = tpu.memref_slice %arg17[%multiple_of3A, %dma_start3A_41] : memref<10240x16xf32, #tpu.memory_space<vmem_shared>> -> memref<640x16xf32, #tpu.memory_space<vmem_shared>>
      tpu.enqueue_dma source(%dma_start3A_42 : memref<640x16xf32, #tpu.memory_space<vmem_shared>>) target(%dma_start3A_40 : memref<640x16xf32, #tpu.memory_space<hbm>>) target_semaphore(%run_scoped3A : memref<!tpu.dma_semaphore, #tpu.memory_space<semaphore_mem>>)
      %dma_wait3A = arith.constant 0 : i32
      %dma_wait3A_43 = arith.constant 0 : i32
      %dma_wait3A_44 = tpu.memref_slice %arg6[%arg0, %dma_wait3A, %dma_wait3A_43] : memref<2x10240x16xf32, #tpu.memory_space<hbm>> -> memref<1x10240x16xf32, #tpu.memory_space<hbm>>
      %dma_wait3A_45 = tpu.memref_squeeze %dma_wait3A_44 : memref<1x10240x16xf32, #tpu.memory_space<hbm>> -> memref<10240x16xf32, #tpu.memory_space<hbm>>
      %dma_wait3A_46 = arith.constant 0 : i32
      %dma_wait3A_47 = tpu.memref_slice %dma_wait3A_45[%multiple_of3A, %dma_wait3A_46] : memref<10240x16xf32, #tpu.memory_space<hbm>> -> memref<640x16xf32, #tpu.memory_space<hbm>>
      %dma_wait3A_48 = arith.constant 0 : i32
      %dma_wait3A_49 = tpu.memref_slice %arg17[%multiple_of3A, %dma_wait3A_48] : memref<10240x16xf32, #tpu.memory_space<vmem_shared>> -> memref<640x16xf32, #tpu.memory_space<vmem_shared>>
      tpu.wait_dma2 semaphore(%run_scoped3A : memref<!tpu.dma_semaphore, #tpu.memory_space<semaphore_mem>>) src(%dma_wait3A_49 : memref<640x16xf32, #tpu.memory_space<vmem_shared>>) dst(%dma_wait3A_47 : memref<640x16xf32, #tpu.memory_space<hbm>>)
      tpu.yield
    }) : () -> ()
    return
  }
}

#map = affine_map<(d0, d1) -> (0, 0)>
#map1 = affine_map<(d0, d1) -> (0)>
#map2 = affine_map<(d0, d1) -> (0, 0, 0)>
module attributes {stable_mosaic.version = 14 : i64} {
  func.func @agg(%arg0: i32, %arg1: i32, %arg2: memref<10000x128xf32, #tpu.memory_space<hbm>>, %arg3: memref<320000xi32, #tpu.memory_space<hbm>>, %arg4: memref<320000xi32, #tpu.memory_space<hbm>>, %arg5: memref<2x10240x128xf32, #tpu.memory_space<hbm>>, %arg6: memref<10000xi32, #tpu.memory_space<vmem>>, %arg7: memref<10000xi32, #tpu.memory_space<vmem>>, %arg8: memref<80x128xf32, #tpu.memory_space<vmem>>, %arg9: memref<80x128xf32, #tpu.memory_space<vmem>>, %arg10: memref<10240x128xf32, #tpu.memory_space<vmem_shared>>, %arg11: memref<!tpu.dma_semaphore, #tpu.memory_space<semaphore_mem>>, %arg12: memref<!tpu.dma_semaphore, #tpu.memory_space<semaphore_mem>>) attributes {dimension_semantics = [#tpu.dimension_semantics<core_parallel>, #tpu.dimension_semantics<subcore_parallel>], iteration_bounds = array<i64: 2, 16>, scalar_prefetch = 0 : i64, scratch_operands = 7 : i64, tpu.core_type = #tpu.core_type<sc_vector_subcore>, window_params = [{transform_indices = #map}, {transform_indices = #map1}, {transform_indices = #map1}, {transform_indices = #map2}]} {
    %mul3A = arith.constant 2 : i32
    %mul3A_0 = arith.muli %arg1, %mul3A : i32
    %add3A = arith.addi %mul3A_0, %arg0 : i32
    %scan3A = arith.constant 0 : i32
    %scan3A_1 = arith.constant 80 : i32
    %scan3A_2 = arith.addi %scan3A, %scan3A_1 : i32
    %scan3A_3 = arith.constant 1 : i32
    scf.for %scan3A_22 = %scan3A to %scan3A_2 step %scan3A_3  : i32 {
      %mul3A_23 = arith.constant 1 : i32
      %mul3A_24 = arith.muli %scan3A_22, %mul3A_23 : i32
      %add3A_25 = arith.constant 0 : i32
      %add3A_26 = arith.addi %add3A_25, %mul3A_24 : i32
      %scan3A_27 = arith.constant 0 : i32
      %scan3A_28 = arith.constant 8 : i32
      %scan3A_29 = arith.addi %scan3A_27, %scan3A_28 : i32
      %scan3A_30 = arith.constant 1 : i32
      scf.for %scan3A_32 = %scan3A_27 to %scan3A_29 step %scan3A_30  : i32 {
        %mul3A_33 = arith.constant 16 : i32
        %mul3A_34 = arith.muli %scan3A_32, %mul3A_33 : i32
        %add3A_35 = arith.constant 0 : i32
        %add3A_36 = arith.addi %add3A_35, %mul3A_34 : i32
        %broadcast_in_dim3A = arith.constant 0.000000e+00 : f32
        %broadcast_in_dim3A_37 = vector.broadcast %broadcast_in_dim3A : f32 to vector<16xf32>
        %swap3A = arith.index_cast %add3A_26 : i32 to index
        %swap3A_38 = arith.index_cast %add3A_36 : i32 to index
        %swap3A_39 = tpu.vector_load %arg8[%swap3A, %swap3A_38] {strides = array<i32>} : memref<80x128xf32, #tpu.memory_space<vmem>>, vector<1x16xf32>,
        %swap3A_40 = vector.shape_cast %swap3A_39 : vector<1x16xf32> to vector<16xf32>
        %swap3A_41 = vector.shape_cast %broadcast_in_dim3A_37 : vector<16xf32> to vector<1x16xf32>
        tpu.vector_store %arg8[%swap3A, %swap3A_38], %swap3A_41 {strides = array<i32>} : memref<80x128xf32, #tpu.memory_space<vmem>>, vector<1x16xf32>,
      }
      %scan3A_31 = arith.constant 8 : i32
    }
    %scan3A_4 = arith.constant 80 : i32
    %mul3A_5 = arith.constant 640 : i32
    %mul3A_6 = arith.muli %arg1, %mul3A_5 : i32
    %multiple_of3A = tpu.assume_multiple %mul3A_6, 8 : i32
    %scan3A_7 = arith.constant 0 : i32
    %scan3A_8 = arith.constant 8 : i32
    %scan3A_9 = arith.addi %scan3A_7, %scan3A_8 : i32
    %scan3A_10 = arith.constant 1 : i32
    scf.for %scan3A_22 = %scan3A_7 to %scan3A_9 step %scan3A_10  : i32 {
      %mul3A_23 = arith.constant 1 : i32
      %mul3A_24 = arith.muli %scan3A_22, %mul3A_23 : i32
      %add3A_25 = arith.constant 0 : i32
      %add3A_26 = arith.addi %add3A_25, %mul3A_24 : i32
      %mul3A_27 = arith.constant 80 : i32
      %mul3A_28 = arith.muli %add3A_26, %mul3A_27 : i32
      %add3A_29 = arith.addi %multiple_of3A, %mul3A_28 : i32
      %multiple_of3A_30 = tpu.assume_multiple %add3A_29, 8 : i32
      "tpu.region"() ({
        %run_scoped3A = tpu.sem_alloc : memref<!tpu.dma_semaphore, #tpu.memory_space<semaphore_mem>>
        %dma_start3A = arith.constant 0 : i32
        %dma_start3A_31 = tpu.memref_slice %arg10[%multiple_of3A_30, %dma_start3A] : memref<10240x128xf32, #tpu.memory_space<vmem_shared>> -> memref<80x128xf32, #tpu.memory_space<vmem_shared>>
        %dma_start3A_32 = arith.constant 0 : i32
        %dma_start3A_33 = tpu.memref_slice %arg10[%multiple_of3A_30, %dma_start3A_32] : memref<10240x128xf32, #tpu.memory_space<vmem_shared>> -> memref<80x128xf32, #tpu.memory_space<vmem_shared>>
        tpu.enqueue_dma source(%arg8 : memref<80x128xf32, #tpu.memory_space<vmem>>) target(%dma_start3A_33 : memref<80x128xf32, #tpu.memory_space<vmem_shared>>) target_semaphore(%run_scoped3A : memref<!tpu.dma_semaphore, #tpu.memory_space<semaphore_mem>>)
        %dma_wait3A = arith.constant 0 : i32
        %dma_wait3A_34 = tpu.memref_slice %arg10[%multiple_of3A_30, %dma_wait3A] : memref<10240x128xf32, #tpu.memory_space<vmem_shared>> -> memref<80x128xf32, #tpu.memory_space<vmem_shared>>
        %dma_wait3A_35 = arith.constant 0 : i32
        %dma_wait3A_36 = tpu.memref_slice %arg10[%multiple_of3A_30, %dma_wait3A_35] : memref<10240x128xf32, #tpu.memory_space<vmem_shared>> -> memref<80x128xf32, #tpu.memory_space<vmem_shared>>
        tpu.wait_dma2 semaphore(%run_scoped3A : memref<!tpu.dma_semaphore, #tpu.memory_space<semaphore_mem>>) src(%arg8 : memref<80x128xf32, #tpu.memory_space<vmem>>) dst(%dma_wait3A_36 : memref<80x128xf32, #tpu.memory_space<vmem_shared>>)
        tpu.yield
      }) : () -> ()
    }
    %scan3A_11 = arith.constant 8 : i32
    %barrier3A = arith.constant 0 : index
    tpu.barrier barrier_id(%barrier3A)
    %mul3A_12 = arith.constant 10000 : i32
    %mul3A_13 = arith.muli %add3A, %mul3A_12 : i32
    "tpu.region"() ({
      %run_scoped3A = tpu.sem_alloc : memref<!tpu.dma_semaphore, #tpu.memory_space<semaphore_mem>>
      %dma_start3A = tpu.memref_slice %arg3[%mul3A_13] : memref<320000xi32, #tpu.memory_space<hbm>> -> memref<10000xi32, #tpu.memory_space<hbm>>
      %dma_start3A_22 = tpu.memref_slice %arg3[%mul3A_13] : memref<320000xi32, #tpu.memory_space<hbm>> -> memref<10000xi32, #tpu.memory_space<hbm>>
      tpu.enqueue_dma source(%dma_start3A_22 : memref<10000xi32, #tpu.memory_space<hbm>>) target(%arg6 : memref<10000xi32, #tpu.memory_space<vmem>>) target_semaphore(%run_scoped3A : memref<!tpu.dma_semaphore, #tpu.memory_space<semaphore_mem>>)
      %dma_wait3A = tpu.memref_slice %arg3[%mul3A_13] : memref<320000xi32, #tpu.memory_space<hbm>> -> memref<10000xi32, #tpu.memory_space<hbm>>
      %dma_wait3A_23 = tpu.memref_slice %arg3[%mul3A_13] : memref<320000xi32, #tpu.memory_space<hbm>> -> memref<10000xi32, #tpu.memory_space<hbm>>
      tpu.wait_dma2 semaphore(%run_scoped3A : memref<!tpu.dma_semaphore, #tpu.memory_space<semaphore_mem>>) src(%dma_wait3A_23 : memref<10000xi32, #tpu.memory_space<hbm>>) dst(%arg6 : memref<10000xi32, #tpu.memory_space<vmem>>)
      tpu.yield
    }) : () -> ()
    %mul3A_14 = arith.constant 10000 : i32
    %mul3A_15 = arith.muli %add3A, %mul3A_14 : i32
    "tpu.region"() ({
      %run_scoped3A = tpu.sem_alloc : memref<!tpu.dma_semaphore, #tpu.memory_space<semaphore_mem>>
      %dma_start3A = tpu.memref_slice %arg4[%mul3A_15] : memref<320000xi32, #tpu.memory_space<hbm>> -> memref<10000xi32, #tpu.memory_space<hbm>>
      %dma_start3A_22 = tpu.memref_slice %arg4[%mul3A_15] : memref<320000xi32, #tpu.memory_space<hbm>> -> memref<10000xi32, #tpu.memory_space<hbm>>
      tpu.enqueue_dma source(%dma_start3A_22 : memref<10000xi32, #tpu.memory_space<hbm>>) target(%arg7 : memref<10000xi32, #tpu.memory_space<vmem>>) target_semaphore(%run_scoped3A : memref<!tpu.dma_semaphore, #tpu.memory_space<semaphore_mem>>)
      %dma_wait3A = tpu.memref_slice %arg4[%mul3A_15] : memref<320000xi32, #tpu.memory_space<hbm>> -> memref<10000xi32, #tpu.memory_space<hbm>>
      %dma_wait3A_23 = tpu.memref_slice %arg4[%mul3A_15] : memref<320000xi32, #tpu.memory_space<hbm>> -> memref<10000xi32, #tpu.memory_space<hbm>>
      tpu.wait_dma2 semaphore(%run_scoped3A : memref<!tpu.dma_semaphore, #tpu.memory_space<semaphore_mem>>) src(%dma_wait3A_23 : memref<10000xi32, #tpu.memory_space<hbm>>) dst(%arg7 : memref<10000xi32, #tpu.memory_space<vmem>>)
      tpu.yield
    }) : () -> ()
    %scan3A_16 = arith.constant 0 : i32
    %scan3A_17 = arith.constant 62 : i32
    %scan3A_18 = arith.addi %scan3A_16, %scan3A_17 : i32
    %scan3A_19 = arith.constant 1 : i32
    scf.for %scan3A_22 = %scan3A_16 to %scan3A_18 step %scan3A_19  : i32 {
      %mul3A_23 = arith.constant 1 : i32
      %mul3A_24 = arith.muli %scan3A_22, %mul3A_23 : i32
      %add3A_25 = arith.constant 0 : i32
      %add3A_26 = arith.addi %add3A_25, %mul3A_24 : i32
      %mul3A_27 = arith.constant 2 : i32
      %mul3A_28 = arith.muli %mul3A_27, %add3A_26 : i32
      %add3A_29 = arith.constant 0 : i32
      %add3A_30 = arith.addi %mul3A_28, %add3A_29 : i32
      %mul3A_31 = arith.constant 80 : i32
      %mul3A_32 = arith.muli %add3A_30, %mul3A_31 : i32
      %dma_start3A = tpu.memref_slice %arg6[%mul3A_32] : memref<10000xi32, #tpu.memory_space<vmem>> -> memref<80xi32, #tpu.memory_space<vmem>>
      %dma_start3A_33 = arith.constant 0 : i32
      %dma_start3A_34 = arith.constant 0 : i32
      %dma_start3A_35 = tpu.memref_slice %arg2[%dma_start3A_33, %dma_start3A_34] : memref<10000x128xf32, #tpu.memory_space<hbm>> -> memref<10000x128xf32, #tpu.memory_space<hbm>>
      tpu.enqueue_indirect_dma source(%dma_start3A_35 : memref<10000x128xf32, #tpu.memory_space<hbm>>) target(%arg8 : memref<80x128xf32, #tpu.memory_space<vmem>>) offsets(%dma_start3A : memref<80xi32, #tpu.memory_space<vmem>>) semaphore(%arg11 : memref<!tpu.dma_semaphore, #tpu.memory_space<semaphore_mem>>)
      %add3A_36 = arith.constant 1 : i32
      %add3A_37 = arith.addi %mul3A_28, %add3A_36 : i32
      %mul3A_38 = arith.constant 80 : i32
      %mul3A_39 = arith.muli %add3A_37, %mul3A_38 : i32
      %dma_start3A_40 = tpu.memref_slice %arg6[%mul3A_39] : memref<10000xi32, #tpu.memory_space<vmem>> -> memref<80xi32, #tpu.memory_space<vmem>>
      %dma_start3A_41 = arith.constant 0 : i32
      %dma_start3A_42 = arith.constant 0 : i32
      %dma_start3A_43 = tpu.memref_slice %arg2[%dma_start3A_41, %dma_start3A_42] : memref<10000x128xf32, #tpu.memory_space<hbm>> -> memref<10000x128xf32, #tpu.memory_space<hbm>>
      tpu.enqueue_indirect_dma source(%dma_start3A_43 : memref<10000x128xf32, #tpu.memory_space<hbm>>) target(%arg9 : memref<80x128xf32, #tpu.memory_space<vmem>>) offsets(%dma_start3A_40 : memref<80xi32, #tpu.memory_space<vmem>>) semaphore(%arg12 : memref<!tpu.dma_semaphore, #tpu.memory_space<semaphore_mem>>)
      %dma_wait3A = tpu.memref_slice %arg6[%mul3A_32] : memref<10000xi32, #tpu.memory_space<vmem>> -> memref<80xi32, #tpu.memory_space<vmem>>
      %dma_wait3A_44 = arith.constant 0 : i32
      %dma_wait3A_45 = arith.constant 0 : i32
      %dma_wait3A_46 = tpu.memref_slice %arg2[%dma_wait3A_44, %dma_wait3A_45] : memref<10000x128xf32, #tpu.memory_space<hbm>> -> memref<10000x128xf32, #tpu.memory_space<hbm>>
      tpu.wait_indirect_dma semaphore(%arg11 : memref<!tpu.dma_semaphore, #tpu.memory_space<semaphore_mem>>) src(%dma_wait3A_46 : memref<10000x128xf32, #tpu.memory_space<hbm>>) dst(%arg8 : memref<80x128xf32, #tpu.memory_space<vmem>>)
      %add3A_47 = arith.constant 0 : i32
      %add3A_48 = arith.addi %mul3A_28, %add3A_47 : i32
      %mul3A_49 = arith.constant 80 : i32
      %mul3A_50 = arith.muli %add3A_48, %mul3A_49 : i32
      "tpu.region"() ({
        %run_scoped3A = tpu.sem_alloc : memref<!tpu.dma_semaphore, #tpu.memory_space<semaphore_mem>>
        %dma_start3A_59 = tpu.memref_slice %arg7[%mul3A_50] : memref<10000xi32, #tpu.memory_space<vmem>> -> memref<80xi32, #tpu.memory_space<vmem>>
        %dma_start3A_60 = arith.constant 0 : i32
        %dma_start3A_61 = arith.constant 0 : i32
        %dma_start3A_62 = tpu.memref_slice %arg10[%dma_start3A_60, %dma_start3A_61] : memref<10240x128xf32, #tpu.memory_space<vmem_shared>> -> memref<10240x128xf32, #tpu.memory_space<vmem_shared>>
        tpu.enqueue_indirect_dma source(%arg8 : memref<80x128xf32, #tpu.memory_space<vmem>>) target(%dma_start3A_62 : memref<10240x128xf32, #tpu.memory_space<vmem_shared>>) offsets(%dma_start3A_59 : memref<80xi32, #tpu.memory_space<vmem>>) semaphore(%run_scoped3A : memref<!tpu.dma_semaphore, #tpu.memory_space<semaphore_mem>>) {add = true}
        %dma_wait3A_63 = tpu.memref_slice %arg7[%mul3A_50] : memref<10000xi32, #tpu.memory_space<vmem>> -> memref<80xi32, #tpu.memory_space<vmem>>
        %dma_wait3A_64 = arith.constant 0 : i32
        %dma_wait3A_65 = arith.constant 0 : i32
        %dma_wait3A_66 = tpu.memref_slice %arg10[%dma_wait3A_64, %dma_wait3A_65] : memref<10240x128xf32, #tpu.memory_space<vmem_shared>> -> memref<10240x128xf32, #tpu.memory_space<vmem_shared>>
        tpu.wait_indirect_dma semaphore(%run_scoped3A : memref<!tpu.dma_semaphore, #tpu.memory_space<semaphore_mem>>) src(%arg8 : memref<80x128xf32, #tpu.memory_space<vmem>>) dst(%dma_wait3A_66 : memref<10240x128xf32, #tpu.memory_space<vmem_shared>>)
        tpu.yield
      }) : () -> ()
      %dma_wait3A_51 = tpu.memref_slice %arg6[%mul3A_39] : memref<10000xi32, #tpu.memory_space<vmem>> -> memref<80xi32, #tpu.memory_space<vmem>>
      %dma_wait3A_52 = arith.constant 0 : i32
      %dma_wait3A_53 = arith.constant 0 : i32
      %dma_wait3A_54 = tpu.memref_slice %arg2[%dma_wait3A_52, %dma_wait3A_53] : memref<10000x128xf32, #tpu.memory_space<hbm>> -> memref<10000x128xf32, #tpu.memory_space<hbm>>
      tpu.wait_indirect_dma semaphore(%arg12 : memref<!tpu.dma_semaphore, #tpu.memory_space<semaphore_mem>>) src(%dma_wait3A_54 : memref<10000x128xf32, #tpu.memory_space<hbm>>) dst(%arg9 : memref<80x128xf32, #tpu.memory_space<vmem>>)
      %add3A_55 = arith.constant 1 : i32
      %add3A_56 = arith.addi %mul3A_28, %add3A_55 : i32
      %mul3A_57 = arith.constant 80 : i32
      %mul3A_58 = arith.muli %add3A_56, %mul3A_57 : i32
      "tpu.region"() ({
        %run_scoped3A = tpu.sem_alloc : memref<!tpu.dma_semaphore, #tpu.memory_space<semaphore_mem>>
        %dma_start3A_59 = tpu.memref_slice %arg7[%mul3A_58] : memref<10000xi32, #tpu.memory_space<vmem>> -> memref<80xi32, #tpu.memory_space<vmem>>
        %dma_start3A_60 = arith.constant 0 : i32
        %dma_start3A_61 = arith.constant 0 : i32
        %dma_start3A_62 = tpu.memref_slice %arg10[%dma_start3A_60, %dma_start3A_61] : memref<10240x128xf32, #tpu.memory_space<vmem_shared>> -> memref<10240x128xf32, #tpu.memory_space<vmem_shared>>
        tpu.enqueue_indirect_dma source(%arg9 : memref<80x128xf32, #tpu.memory_space<vmem>>) target(%dma_start3A_62 : memref<10240x128xf32, #tpu.memory_space<vmem_shared>>) offsets(%dma_start3A_59 : memref<80xi32, #tpu.memory_space<vmem>>) semaphore(%run_scoped3A : memref<!tpu.dma_semaphore, #tpu.memory_space<semaphore_mem>>) {add = true}
        %dma_wait3A_63 = tpu.memref_slice %arg7[%mul3A_58] : memref<10000xi32, #tpu.memory_space<vmem>> -> memref<80xi32, #tpu.memory_space<vmem>>
        %dma_wait3A_64 = arith.constant 0 : i32
        %dma_wait3A_65 = arith.constant 0 : i32
        %dma_wait3A_66 = tpu.memref_slice %arg10[%dma_wait3A_64, %dma_wait3A_65] : memref<10240x128xf32, #tpu.memory_space<vmem_shared>> -> memref<10240x128xf32, #tpu.memory_space<vmem_shared>>
        tpu.wait_indirect_dma semaphore(%run_scoped3A : memref<!tpu.dma_semaphore, #tpu.memory_space<semaphore_mem>>) src(%arg9 : memref<80x128xf32, #tpu.memory_space<vmem>>) dst(%dma_wait3A_66 : memref<10240x128xf32, #tpu.memory_space<vmem_shared>>)
        tpu.yield
      }) : () -> ()
    }
    %scan3A_20 = arith.constant 62 : i32
    "tpu.region"() ({
      %run_scoped3A = tpu.sem_alloc : memref<!tpu.dma_semaphore, #tpu.memory_space<semaphore_mem>>
      %dma_start3A = arith.constant 9920 : i32
      %dma_start3A_22 = tpu.memref_slice %arg6[%dma_start3A] : memref<10000xi32, #tpu.memory_space<vmem>> -> memref<80xi32, #tpu.memory_space<vmem>>
      %dma_start3A_23 = arith.constant 0 : i32
      %dma_start3A_24 = arith.constant 0 : i32
      %dma_start3A_25 = tpu.memref_slice %arg2[%dma_start3A_23, %dma_start3A_24] : memref<10000x128xf32, #tpu.memory_space<hbm>> -> memref<10000x128xf32, #tpu.memory_space<hbm>>
      tpu.enqueue_indirect_dma source(%dma_start3A_25 : memref<10000x128xf32, #tpu.memory_space<hbm>>) target(%arg8 : memref<80x128xf32, #tpu.memory_space<vmem>>) offsets(%dma_start3A_22 : memref<80xi32, #tpu.memory_space<vmem>>) semaphore(%run_scoped3A : memref<!tpu.dma_semaphore, #tpu.memory_space<semaphore_mem>>)
      %dma_wait3A = arith.constant 9920 : i32
      %dma_wait3A_26 = tpu.memref_slice %arg6[%dma_wait3A] : memref<10000xi32, #tpu.memory_space<vmem>> -> memref<80xi32, #tpu.memory_space<vmem>>
      %dma_wait3A_27 = arith.constant 0 : i32
      %dma_wait3A_28 = arith.constant 0 : i32
      %dma_wait3A_29 = tpu.memref_slice %arg2[%dma_wait3A_27, %dma_wait3A_28] : memref<10000x128xf32, #tpu.memory_space<hbm>> -> memref<10000x128xf32, #tpu.memory_space<hbm>>
      tpu.wait_indirect_dma semaphore(%run_scoped3A : memref<!tpu.dma_semaphore, #tpu.memory_space<semaphore_mem>>) src(%dma_wait3A_29 : memref<10000x128xf32, #tpu.memory_space<hbm>>) dst(%arg8 : memref<80x128xf32, #tpu.memory_space<vmem>>)
      tpu.yield
    }) : () -> ()
    "tpu.region"() ({
      %run_scoped3A = tpu.sem_alloc : memref<!tpu.dma_semaphore, #tpu.memory_space<semaphore_mem>>
      %dma_start3A = arith.constant 9920 : i32
      %dma_start3A_22 = tpu.memref_slice %arg7[%dma_start3A] : memref<10000xi32, #tpu.memory_space<vmem>> -> memref<80xi32, #tpu.memory_space<vmem>>
      %dma_start3A_23 = arith.constant 0 : i32
      %dma_start3A_24 = arith.constant 0 : i32
      %dma_start3A_25 = tpu.memref_slice %arg10[%dma_start3A_23, %dma_start3A_24] : memref<10240x128xf32, #tpu.memory_space<vmem_shared>> -> memref<10240x128xf32, #tpu.memory_space<vmem_shared>>
      tpu.enqueue_indirect_dma source(%arg8 : memref<80x128xf32, #tpu.memory_space<vmem>>) target(%dma_start3A_25 : memref<10240x128xf32, #tpu.memory_space<vmem_shared>>) offsets(%dma_start3A_22 : memref<80xi32, #tpu.memory_space<vmem>>) semaphore(%run_scoped3A : memref<!tpu.dma_semaphore, #tpu.memory_space<semaphore_mem>>) {add = true}
      %dma_wait3A = arith.constant 9920 : i32
      %dma_wait3A_26 = tpu.memref_slice %arg7[%dma_wait3A] : memref<10000xi32, #tpu.memory_space<vmem>> -> memref<80xi32, #tpu.memory_space<vmem>>
      %dma_wait3A_27 = arith.constant 0 : i32
      %dma_wait3A_28 = arith.constant 0 : i32
      %dma_wait3A_29 = tpu.memref_slice %arg10[%dma_wait3A_27, %dma_wait3A_28] : memref<10240x128xf32, #tpu.memory_space<vmem_shared>> -> memref<10240x128xf32, #tpu.memory_space<vmem_shared>>
      tpu.wait_indirect_dma semaphore(%run_scoped3A : memref<!tpu.dma_semaphore, #tpu.memory_space<semaphore_mem>>) src(%arg8 : memref<80x128xf32, #tpu.memory_space<vmem>>) dst(%dma_wait3A_29 : memref<10240x128xf32, #tpu.memory_space<vmem_shared>>)
      tpu.yield
    }) : () -> ()
    %barrier3A_21 = arith.constant 0 : index
    tpu.barrier barrier_id(%barrier3A_21)
    "tpu.region"() ({
      %run_scoped3A = tpu.sem_alloc : memref<!tpu.dma_semaphore, #tpu.memory_space<semaphore_mem>>
      %dma_start3A = arith.constant 0 : i32
      %dma_start3A_22 = arith.constant 0 : i32
      %dma_start3A_23 = tpu.memref_slice %arg5[%arg0, %dma_start3A, %dma_start3A_22] : memref<2x10240x128xf32, #tpu.memory_space<hbm>> -> memref<1x10240x128xf32, #tpu.memory_space<hbm>>
      %dma_start3A_24 = tpu.memref_squeeze %dma_start3A_23 : memref<1x10240x128xf32, #tpu.memory_space<hbm>> -> memref<10240x128xf32, #tpu.memory_space<hbm>>
      %dma_start3A_25 = arith.constant 0 : i32
      %dma_start3A_26 = tpu.memref_slice %dma_start3A_24[%multiple_of3A, %dma_start3A_25] : memref<10240x128xf32, #tpu.memory_space<hbm>> -> memref<640x128xf32, #tpu.memory_space<hbm>>
      %dma_start3A_27 = arith.constant 0 : i32
      %dma_start3A_28 = tpu.memref_slice %arg10[%multiple_of3A, %dma_start3A_27] : memref<10240x128xf32, #tpu.memory_space<vmem_shared>> -> memref<640x128xf32, #tpu.memory_space<vmem_shared>>
      tpu.enqueue_dma source(%dma_start3A_28 : memref<640x128xf32, #tpu.memory_space<vmem_shared>>) target(%dma_start3A_26 : memref<640x128xf32, #tpu.memory_space<hbm>>) target_semaphore(%run_scoped3A : memref<!tpu.dma_semaphore, #tpu.memory_space<semaphore_mem>>)
      %dma_wait3A = arith.constant 0 : i32
      %dma_wait3A_29 = arith.constant 0 : i32
      %dma_wait3A_30 = tpu.memref_slice %arg5[%arg0, %dma_wait3A, %dma_wait3A_29] : memref<2x10240x128xf32, #tpu.memory_space<hbm>> -> memref<1x10240x128xf32, #tpu.memory_space<hbm>>
      %dma_wait3A_31 = tpu.memref_squeeze %dma_wait3A_30 : memref<1x10240x128xf32, #tpu.memory_space<hbm>> -> memref<10240x128xf32, #tpu.memory_space<hbm>>
      %dma_wait3A_32 = arith.constant 0 : i32
      %dma_wait3A_33 = tpu.memref_slice %dma_wait3A_31[%multiple_of3A, %dma_wait3A_32] : memref<10240x128xf32, #tpu.memory_space<hbm>> -> memref<640x128xf32, #tpu.memory_space<hbm>>
      %dma_wait3A_34 = arith.constant 0 : i32
      %dma_wait3A_35 = tpu.memref_slice %arg10[%multiple_of3A, %dma_wait3A_34] : memref<10240x128xf32, #tpu.memory_space<vmem_shared>> -> memref<640x128xf32, #tpu.memory_space<vmem_shared>>
      tpu.wait_dma2 semaphore(%run_scoped3A : memref<!tpu.dma_semaphore, #tpu.memory_space<semaphore_mem>>) src(%dma_wait3A_35 : memref<640x128xf32, #tpu.memory_space<vmem_shared>>) dst(%dma_wait3A_33 : memref<640x128xf32, #tpu.memory_space<hbm>>)
      tpu.yield
    }) : () -> ()
    return
  }
}

module attributes {stable_mosaic.version = 14 : i64} {
  func.func @body(%arg0: i32, %arg1: memref<2x2000x16xf32, #tpu.memory_space<vmem>>, %arg2: memref<2x2000x128xf32, #tpu.memory_space<vmem>>, %arg3: memref<2000x128xf32, #tpu.memory_space<vmem>>, %arg4: memref<128x128xf32, #tpu.memory_space<vmem>>, %arg5: memref<1x128xf32, #tpu.memory_space<vmem>>, %arg6: memref<128x128xf32, #tpu.memory_space<vmem>>, %arg7: memref<1x128xf32, #tpu.memory_space<vmem>>, %arg8: memref<1x128xf32, #tpu.memory_space<vmem>>, %arg9: memref<2000x128xf32, #tpu.memory_space<vmem>>) attributes {dimension_semantics = [#tpu.dimension_semantics<arbitrary>], iteration_bounds = array<i64: 5>, scalar_prefetch = 0 : i64, scratch_operands = 0 : i64, tpu.core_type = #tpu.core_type<tc>, window_params = [{transform_indices = @transform_0, window_bounds = array<i64: 2, 2000, 16>}, {transform_indices = @transform_1, window_bounds = array<i64: 2, 2000, 128>}, {transform_indices = @transform_2, window_bounds = array<i64: 2000, 128>}, {pipeline_mode = #tpu.pipeline_mode<synchronous>, transform_indices = @transform_3, window_bounds = array<i64: 128, 128>}, {pipeline_mode = #tpu.pipeline_mode<synchronous>, transform_indices = @transform_4, window_bounds = array<i64: 1, 128>}, {pipeline_mode = #tpu.pipeline_mode<synchronous>, transform_indices = @transform_5, window_bounds = array<i64: 128, 128>}, {pipeline_mode = #tpu.pipeline_mode<synchronous>, transform_indices = @transform_6, window_bounds = array<i64: 1, 128>}, {pipeline_mode = #tpu.pipeline_mode<synchronous>, transform_indices = @transform_7, window_bounds = array<i64: 1, 128>}, {transform_indices = @transform_8, window_bounds = array<i64: 2000, 128>}]} {
    %get3A = arith.constant 0 : index
    %get3A_0 = arith.constant 0 : index
    %get3A_1 = arith.constant 0 : index
    %get3A_2 = vector.load %arg2[%get3A, %get3A_0, %get3A_1] : memref<2x2000x128xf32, #tpu.memory_space<vmem>>, vector<1x2000x128xf32>
    %get3A_3 = vector.shape_cast %get3A_2 : vector<1x2000x128xf32> to vector<2000x128xf32>
    %get3A_4 = arith.constant 1 : index
    %get3A_5 = arith.constant 0 : index
    %get3A_6 = arith.constant 0 : index
    %get3A_7 = vector.load %arg2[%get3A_4, %get3A_5, %get3A_6] : memref<2x2000x128xf32, #tpu.memory_space<vmem>>, vector<1x2000x128xf32>
    %get3A_8 = vector.shape_cast %get3A_7 : vector<1x2000x128xf32> to vector<2000x128xf32>
    %add3A = arith.addf %get3A_3, %get3A_8 : vector<2000x128xf32>
    %get3A_9 = arith.constant 0 : index
    %get3A_10 = arith.constant 0 : index
    %get3A_11 = arith.constant 0 : index
    %get3A_12 = vector.load %arg1[%get3A_9, %get3A_10, %get3A_11] : memref<2x2000x16xf32, #tpu.memory_space<vmem>>, vector<1x2000x1xf32>
    %get3A_13 = vector.shape_cast %get3A_12 : vector<1x2000x1xf32> to vector<2000x1xf32>
    %get3A_14 = arith.constant 1 : index
    %get3A_15 = arith.constant 0 : index
    %get3A_16 = arith.constant 0 : index
    %get3A_17 = vector.load %arg1[%get3A_14, %get3A_15, %get3A_16] : memref<2x2000x16xf32, #tpu.memory_space<vmem>>, vector<1x2000x1xf32>
    %get3A_18 = vector.shape_cast %get3A_17 : vector<1x2000x1xf32> to vector<2000x1xf32>
    %add3A_19 = arith.addf %get3A_13, %get3A_18 : vector<2000x1xf32>
    %max3A = arith.constant 1.000000e+00 : f32
    %max3A_20 = vector.broadcast %max3A : f32 to vector<2000x1xf32>
    %max3A_21 = arith.maximumf %add3A_19, %max3A_20 : vector<2000x1xf32>
    %div3A = vector.broadcast %max3A_21 : vector<2000x1xf32> to vector<2000x128xf32>
    %div3A_22 = arith.divf %add3A, %div3A : vector<2000x128xf32>
    %get3A_23 = arith.constant 0 : index
    %get3A_24 = arith.constant 0 : index
    %get3A_25 = vector.load %arg4[%get3A_23, %get3A_24] : memref<128x128xf32, #tpu.memory_space<vmem>>, vector<128x128xf32>
    %dot_general3A = arith.constant dense<0.000000e+00> : vector<2000x128xf32>
    %dot_general3A_26 = tpu.matmul %div3A_22, %get3A_25, %dot_general3A {dimension_numbers = #tpu.dot_dimension_numbers<[1], [1], [0], [0], [0, 0, 1, 0], [], []>, transpose_lhs_hint = false} : vector<2000x128xf32>, vector<128x128xf32>, vector<2000x128xf32> -> vector<2000x128xf32>
    %get3A_27 = arith.constant 0 : index
    %get3A_28 = arith.constant 0 : index
    %get3A_29 = vector.load %arg5[%get3A_27, %get3A_28] : memref<1x128xf32, #tpu.memory_space<vmem>>, vector<1x128xf32>
    %add3A_30 = vector.broadcast %get3A_29 : vector<1x128xf32> to vector<2000x128xf32>
    %add3A_31 = arith.addf %dot_general3A_26, %add3A_30 : vector<2000x128xf32>
    %get3A_32 = arith.constant 0 : index
    %get3A_33 = arith.constant 0 : index
    %get3A_34 = vector.load %arg3[%get3A_32, %get3A_33] : memref<2000x128xf32, #tpu.memory_space<vmem>>, vector<2000x128xf32>
    %get3A_35 = arith.constant 0 : index
    %get3A_36 = arith.constant 0 : index
    %get3A_37 = vector.load %arg6[%get3A_35, %get3A_36] : memref<128x128xf32, #tpu.memory_space<vmem>>, vector<128x128xf32>
    %dot_general3A_38 = arith.constant dense<0.000000e+00> : vector<2000x128xf32>
    %dot_general3A_39 = tpu.matmul %get3A_34, %get3A_37, %dot_general3A_38 {dimension_numbers = #tpu.dot_dimension_numbers<[1], [1], [0], [0], [0, 0, 1, 0], [], []>, transpose_lhs_hint = false} : vector<2000x128xf32>, vector<128x128xf32>, vector<2000x128xf32> -> vector<2000x128xf32>
    %add3A_40 = arith.addf %add3A_31, %dot_general3A_39 : vector<2000x128xf32>
    %mul3A = arith.mulf %add3A_40, %add3A_40 : vector<2000x128xf32>
    %reduce_sum3A = arith.constant dense<0.000000e+00> : vector<2000xf32>
    %reduce_sum3A_41 = vector.multi_reduction <add>, %mul3A, %reduce_sum3A [1] : vector<2000x128xf32> to vector<2000xf32>
    %broadcast_in_dim3A = vector.shape_cast %reduce_sum3A_41 : vector<2000xf32> to vector<2000x1xf32>
    %sqrt3A = math.sqrt %broadcast_in_dim3A : vector<2000x1xf32>
    %max3A_42 = arith.constant 9.99999996E-13 : f32
    %max3A_43 = vector.broadcast %max3A_42 : f32 to vector<2000x1xf32>
    %max3A_44 = arith.maximumf %sqrt3A, %max3A_43 : vector<2000x1xf32>
    %div3A_45 = vector.broadcast %max3A_44 : vector<2000x1xf32> to vector<2000x128xf32>
    %div3A_46 = arith.divf %add3A_40, %div3A_45 : vector<2000x128xf32>
    %swap3A = arith.constant 0 : index
    %swap3A_47 = arith.constant 0 : index
    %swap3A_48 = vector.load %arg9[%swap3A, %swap3A_47] : memref<2000x128xf32, #tpu.memory_space<vmem>>, vector<2000x128xf32>
    tpu.vector_store %arg9[%swap3A, %swap3A_47], %div3A_46 {strides = array<i32>} : memref<2000x128xf32, #tpu.memory_space<vmem>>, vector<2000x128xf32>,
    return
  }
  func.func @transform_0(%arg0: i32) -> (i32, i32, i32) {
    %c0_i32 = arith.constant 0 : i32
    %c0_i32_0 = arith.constant 0 : i32
    %c0_i32_1 = arith.constant 0 : i32
    return %c0_i32, %arg0, %c0_i32_0 : i32, i32, i32
  }
  func.func @transform_1(%arg0: i32) -> (i32, i32, i32) {
    %c0_i32 = arith.constant 0 : i32
    %c0_i32_0 = arith.constant 0 : i32
    %c0_i32_1 = arith.constant 0 : i32
    return %c0_i32, %arg0, %c0_i32_0 : i32, i32, i32
  }
  func.func @transform_2(%arg0: i32) -> (i32, i32) {
    %c0_i32 = arith.constant 0 : i32
    %c0_i32_0 = arith.constant 0 : i32
    return %arg0, %c0_i32 : i32, i32
  }
  func.func @transform_3(%arg0: i32) -> (i32, i32) {
    %c0_i32 = arith.constant 0 : i32
    %c0_i32_0 = arith.constant 0 : i32
    %c0_i32_1 = arith.constant 0 : i32
    return %c0_i32, %c0_i32_0 : i32, i32
  }
  func.func @transform_4(%arg0: i32) -> (i32, i32) {
    %c0_i32 = arith.constant 0 : i32
    %c0_i32_0 = arith.constant 0 : i32
    %c0_i32_1 = arith.constant 0 : i32
    return %c0_i32, %c0_i32_0 : i32, i32
  }
  func.func @transform_5(%arg0: i32) -> (i32, i32) {
    %c0_i32 = arith.constant 0 : i32
    %c0_i32_0 = arith.constant 0 : i32
    %c0_i32_1 = arith.constant 0 : i32
    return %c0_i32, %c0_i32_0 : i32, i32
  }
  func.func @transform_6(%arg0: i32) -> (i32, i32) {
    %c0_i32 = arith.constant 0 : i32
    %c0_i32_0 = arith.constant 0 : i32
    %c0_i32_1 = arith.constant 0 : i32
    return %c0_i32, %c0_i32_0 : i32, i32
  }
  func.func @transform_7(%arg0: i32) -> (i32, i32) {
    %c0_i32 = arith.constant 0 : i32
    %c0_i32_0 = arith.constant 0 : i32
    %c0_i32_1 = arith.constant 0 : i32
    return %c0_i32, %c0_i32_0 : i32, i32
  }
  func.func @transform_8(%arg0: i32) -> (i32, i32) {
    %c0_i32 = arith.constant 0 : i32
    %c0_i32_0 = arith.constant 0 : i32
    return %arg0, %c0_i32 : i32, i32
  }
}

module attributes {stable_mosaic.version = 14 : i64} {
  func.func @body(%arg0: i32, %arg1: memref<2x2000x16xf32, #tpu.memory_space<vmem>>, %arg2: memref<2x2000x128xf32, #tpu.memory_space<vmem>>, %arg3: memref<2000x128xf32, #tpu.memory_space<vmem>>, %arg4: memref<128x128xf32, #tpu.memory_space<vmem>>, %arg5: memref<1x128xf32, #tpu.memory_space<vmem>>, %arg6: memref<128x128xf32, #tpu.memory_space<vmem>>, %arg7: memref<1x128xf32, #tpu.memory_space<vmem>>, %arg8: memref<1x128xf32, #tpu.memory_space<vmem>>, %arg9: memref<2000x128xf32, #tpu.memory_space<vmem>>) attributes {dimension_semantics = [#tpu.dimension_semantics<arbitrary>], iteration_bounds = array<i64: 5>, scalar_prefetch = 0 : i64, scratch_operands = 0 : i64, tpu.core_type = #tpu.core_type<tc>, window_params = [{transform_indices = @transform_0, window_bounds = array<i64: 2, 2000, 16>}, {transform_indices = @transform_1, window_bounds = array<i64: 2, 2000, 128>}, {transform_indices = @transform_2, window_bounds = array<i64: 2000, 128>}, {pipeline_mode = #tpu.pipeline_mode<synchronous>, transform_indices = @transform_3, window_bounds = array<i64: 128, 128>}, {pipeline_mode = #tpu.pipeline_mode<synchronous>, transform_indices = @transform_4, window_bounds = array<i64: 1, 128>}, {pipeline_mode = #tpu.pipeline_mode<synchronous>, transform_indices = @transform_5, window_bounds = array<i64: 128, 128>}, {pipeline_mode = #tpu.pipeline_mode<synchronous>, transform_indices = @transform_6, window_bounds = array<i64: 1, 128>}, {pipeline_mode = #tpu.pipeline_mode<synchronous>, transform_indices = @transform_7, window_bounds = array<i64: 1, 128>}, {transform_indices = @transform_8, window_bounds = array<i64: 2000, 128>}]} {
    %get3A = arith.constant 0 : index
    %get3A_0 = arith.constant 0 : index
    %get3A_1 = arith.constant 0 : index
    %get3A_2 = vector.load %arg2[%get3A, %get3A_0, %get3A_1] : memref<2x2000x128xf32, #tpu.memory_space<vmem>>, vector<1x2000x128xf32>
    %get3A_3 = vector.shape_cast %get3A_2 : vector<1x2000x128xf32> to vector<2000x128xf32>
    %get3A_4 = arith.constant 1 : index
    %get3A_5 = arith.constant 0 : index
    %get3A_6 = arith.constant 0 : index
    %get3A_7 = vector.load %arg2[%get3A_4, %get3A_5, %get3A_6] : memref<2x2000x128xf32, #tpu.memory_space<vmem>>, vector<1x2000x128xf32>
    %get3A_8 = vector.shape_cast %get3A_7 : vector<1x2000x128xf32> to vector<2000x128xf32>
    %add3A = arith.addf %get3A_3, %get3A_8 : vector<2000x128xf32>
    %get3A_9 = arith.constant 0 : index
    %get3A_10 = arith.constant 0 : index
    %get3A_11 = arith.constant 0 : index
    %get3A_12 = vector.load %arg1[%get3A_9, %get3A_10, %get3A_11] : memref<2x2000x16xf32, #tpu.memory_space<vmem>>, vector<1x2000x1xf32>
    %get3A_13 = vector.shape_cast %get3A_12 : vector<1x2000x1xf32> to vector<2000x1xf32>
    %get3A_14 = arith.constant 1 : index
    %get3A_15 = arith.constant 0 : index
    %get3A_16 = arith.constant 0 : index
    %get3A_17 = vector.load %arg1[%get3A_14, %get3A_15, %get3A_16] : memref<2x2000x16xf32, #tpu.memory_space<vmem>>, vector<1x2000x1xf32>
    %get3A_18 = vector.shape_cast %get3A_17 : vector<1x2000x1xf32> to vector<2000x1xf32>
    %add3A_19 = arith.addf %get3A_13, %get3A_18 : vector<2000x1xf32>
    %max3A = arith.constant 1.000000e+00 : f32
    %max3A_20 = vector.broadcast %max3A : f32 to vector<2000x1xf32>
    %max3A_21 = arith.maximumf %add3A_19, %max3A_20 : vector<2000x1xf32>
    %div3A = vector.broadcast %max3A_21 : vector<2000x1xf32> to vector<2000x128xf32>
    %div3A_22 = arith.divf %add3A, %div3A : vector<2000x128xf32>
    %get3A_23 = arith.constant 0 : index
    %get3A_24 = arith.constant 0 : index
    %get3A_25 = vector.load %arg4[%get3A_23, %get3A_24] : memref<128x128xf32, #tpu.memory_space<vmem>>, vector<128x128xf32>
    %dot_general3A = arith.constant dense<0.000000e+00> : vector<2000x128xf32>
    %dot_general3A_26 = tpu.matmul %div3A_22, %get3A_25, %dot_general3A {dimension_numbers = #tpu.dot_dimension_numbers<[1], [1], [0], [0], [0, 0, 1, 0], [], []>, transpose_lhs_hint = false} : vector<2000x128xf32>, vector<128x128xf32>, vector<2000x128xf32> -> vector<2000x128xf32>
    %get3A_27 = arith.constant 0 : index
    %get3A_28 = arith.constant 0 : index
    %get3A_29 = vector.load %arg5[%get3A_27, %get3A_28] : memref<1x128xf32, #tpu.memory_space<vmem>>, vector<1x128xf32>
    %add3A_30 = vector.broadcast %get3A_29 : vector<1x128xf32> to vector<2000x128xf32>
    %add3A_31 = arith.addf %dot_general3A_26, %add3A_30 : vector<2000x128xf32>
    %get3A_32 = arith.constant 0 : index
    %get3A_33 = arith.constant 0 : index
    %get3A_34 = vector.load %arg3[%get3A_32, %get3A_33] : memref<2000x128xf32, #tpu.memory_space<vmem>>, vector<2000x128xf32>
    %get3A_35 = arith.constant 0 : index
    %get3A_36 = arith.constant 0 : index
    %get3A_37 = vector.load %arg6[%get3A_35, %get3A_36] : memref<128x128xf32, #tpu.memory_space<vmem>>, vector<128x128xf32>
    %dot_general3A_38 = arith.constant dense<0.000000e+00> : vector<2000x128xf32>
    %dot_general3A_39 = tpu.matmul %get3A_34, %get3A_37, %dot_general3A_38 {dimension_numbers = #tpu.dot_dimension_numbers<[1], [1], [0], [0], [0, 0, 1, 0], [], []>, transpose_lhs_hint = false} : vector<2000x128xf32>, vector<128x128xf32>, vector<2000x128xf32> -> vector<2000x128xf32>
    %add3A_40 = arith.addf %add3A_31, %dot_general3A_39 : vector<2000x128xf32>
    %mul3A = arith.mulf %add3A_40, %add3A_40 : vector<2000x128xf32>
    %reduce_sum3A = arith.constant dense<0.000000e+00> : vector<2000xf32>
    %reduce_sum3A_41 = vector.multi_reduction <add>, %mul3A, %reduce_sum3A [1] : vector<2000x128xf32> to vector<2000xf32>
    %broadcast_in_dim3A = vector.shape_cast %reduce_sum3A_41 : vector<2000xf32> to vector<2000x1xf32>
    %sqrt3A = math.sqrt %broadcast_in_dim3A : vector<2000x1xf32>
    %max3A_42 = arith.constant 9.99999996E-13 : f32
    %max3A_43 = vector.broadcast %max3A_42 : f32 to vector<2000x1xf32>
    %max3A_44 = arith.maximumf %sqrt3A, %max3A_43 : vector<2000x1xf32>
    %div3A_45 = vector.broadcast %max3A_44 : vector<2000x1xf32> to vector<2000x128xf32>
    %div3A_46 = arith.divf %add3A_40, %div3A_45 : vector<2000x128xf32>
    %get3A_47 = arith.constant 0 : index
    %get3A_48 = arith.constant 0 : index
    %get3A_49 = vector.load %arg7[%get3A_47, %get3A_48] : memref<1x128xf32, #tpu.memory_space<vmem>>, vector<1x128xf32>
    %sqrt3A_50 = arith.constant 1.000010e+00 : f32
    %sqrt3A_51 = math.sqrt %sqrt3A_50 : f32
    %div3A_52 = arith.constant 1.000000e+00 : f32
    %div3A_53 = arith.divf %div3A_52, %sqrt3A_51 : f32
    %mul3A_54 = vector.broadcast %div3A_53 : f32 to vector<1x128xf32>
    %mul3A_55 = arith.mulf %get3A_49, %mul3A_54 : vector<1x128xf32>
    %max3A_56 = arith.constant 0.000000e+00 : f32
    %max3A_57 = vector.broadcast %max3A_56 : f32 to vector<2000x128xf32>
    %max3A_58 = arith.maximumf %div3A_46, %max3A_57 : vector<2000x128xf32>
    %mul3A_59 = vector.broadcast %mul3A_55 : vector<1x128xf32> to vector<2000x128xf32>
    %mul3A_60 = arith.mulf %max3A_58, %mul3A_59 : vector<2000x128xf32>
    %get3A_61 = arith.constant 0 : index
    %get3A_62 = arith.constant 0 : index
    %get3A_63 = vector.load %arg8[%get3A_61, %get3A_62] : memref<1x128xf32, #tpu.memory_space<vmem>>, vector<1x128xf32>
    %add3A_64 = vector.broadcast %get3A_63 : vector<1x128xf32> to vector<2000x128xf32>
    %add3A_65 = arith.addf %mul3A_60, %add3A_64 : vector<2000x128xf32>
    %swap3A = arith.constant 0 : index
    %swap3A_66 = arith.constant 0 : index
    %swap3A_67 = vector.load %arg9[%swap3A, %swap3A_66] : memref<2000x128xf32, #tpu.memory_space<vmem>>, vector<2000x128xf32>
    tpu.vector_store %arg9[%swap3A, %swap3A_66], %add3A_65 {strides = array<i32>} : memref<2000x128xf32, #tpu.memory_space<vmem>>, vector<2000x128xf32>,
    return
  }
  func.func @transform_0(%arg0: i32) -> (i32, i32, i32) {
    %c0_i32 = arith.constant 0 : i32
    %c0_i32_0 = arith.constant 0 : i32
    %c0_i32_1 = arith.constant 0 : i32
    return %c0_i32, %arg0, %c0_i32_0 : i32, i32, i32
  }
  func.func @transform_1(%arg0: i32) -> (i32, i32, i32) {
    %c0_i32 = arith.constant 0 : i32
    %c0_i32_0 = arith.constant 0 : i32
    %c0_i32_1 = arith.constant 0 : i32
    return %c0_i32, %arg0, %c0_i32_0 : i32, i32, i32
  }
  func.func @transform_2(%arg0: i32) -> (i32, i32) {
    %c0_i32 = arith.constant 0 : i32
    %c0_i32_0 = arith.constant 0 : i32
    return %arg0, %c0_i32 : i32, i32
  }
  func.func @transform_3(%arg0: i32) -> (i32, i32) {
    %c0_i32 = arith.constant 0 : i32
    %c0_i32_0 = arith.constant 0 : i32
    %c0_i32_1 = arith.constant 0 : i32
    return %c0_i32, %c0_i32_0 : i32, i32
  }
  func.func @transform_4(%arg0: i32) -> (i32, i32) {
    %c0_i32 = arith.constant 0 : i32
    %c0_i32_0 = arith.constant 0 : i32
    %c0_i32_1 = arith.constant 0 : i32
    return %c0_i32, %c0_i32_0 : i32, i32
  }
  func.func @transform_5(%arg0: i32) -> (i32, i32) {
    %c0_i32 = arith.constant 0 : i32
    %c0_i32_0 = arith.constant 0 : i32
    %c0_i32_1 = arith.constant 0 : i32
    return %c0_i32, %c0_i32_0 : i32, i32
  }
  func.func @transform_6(%arg0: i32) -> (i32, i32) {
    %c0_i32 = arith.constant 0 : i32
    %c0_i32_0 = arith.constant 0 : i32
    %c0_i32_1 = arith.constant 0 : i32
    return %c0_i32, %c0_i32_0 : i32, i32
  }
  func.func @transform_7(%arg0: i32) -> (i32, i32) {
    %c0_i32 = arith.constant 0 : i32
    %c0_i32_0 = arith.constant 0 : i32
    %c0_i32_1 = arith.constant 0 : i32
    return %c0_i32, %c0_i32_0 : i32, i32
  }
  func.func @transform_8(%arg0: i32) -> (i32, i32) {
    %c0_i32 = arith.constant 0 : i32
    %c0_i32_0 = arith.constant 0 : i32
    return %arg0, %c0_i32 : i32, i32
  }
}

</mosaic_0001>

<sc_bundles>
// kernel: kernel.6.cloned.1.call-start
scs
__scs_entry_jumppad:
0x0: {  	(pc) =	sbr.rel $0x88, $3  }
0x1: {  	(tag) =	ssettag $0x0;
	lr =	simm.s32 $0x1  }
0x2: {  	[smem:$0x3F97] =	sst lr;
	_ =	strace $0xD0000000  }
0x3: {  	_ = 	snop  }
0x4: {  	_ = 	snop  }
0x5: {  	_ = 	snop  }
0x6: {  	_ = 	snop  }
0x7: {  	_ = 	snop  }
__scs_overlays_trampoline_lowered:
0x8: {  	[smem:$0x3FA6] =	sst s0  }
0x9: {  	[smem:$0x3FA7] =	sst s1  }
0xa: {  	[smem:$0x3FA8] =	sst s2  }
0xb: {  	[smem:$0x3FA9] =	sst s3  }
0xc: {  	[smem:$0x3FAA] =	sst s4  }
0xd: {  	[smem:$0x3FAB] =	sst s5  }
0xe: {  	[smem:$0x3FAC] =	sst s6  }
0xf: {  	[smem:$0x3FAD] =	sst s7  }
0x10: {  	[smem:$0x3FAE] =	sst s8  }
0x11: {  	[smem:$0x3FAF] =	sst s9;
	s0 =	simm.s32 @!p0 $0x0  }
0x12: {  	s1 =	sld [smem:$0x3F95];
	s0 =	simm.s32 @p0 $0x1  }
0x13: {  	[smem:$0x3FB0] =	sst s0;
	s0 =	simm.s32 @!p1 $0x0  }
0x14: {  	s2 =	sld [smem:$0x3F94];
	s0 =	simm.s32 @p1 $0x1  }
0x15: {  	[smem:$0x3FB1] =	sst s0;
	s0 =	simm.s32 @!p2 $0x0  }
0x16: {  	s3 =	sld [smem:$0x3FDB];
	s0 =	simm.s32 @p2 $0x1  }
0x17: {  	s4 =	simm.s32 $0x1BF5;
	[smem:$0x3FB3] =	sst s0  }
0x18: {  	s0 =	sld [smem:$0x3F96];
	_ =	swait.ge [sflag:s4], $0x0  }
0x19: {  	s7 =	sld [smem:$0x3F97]  }
0x1a: {  	s8 =	sadd.s32 $0xFFFFE003, lr  }
0x1b: {  	s9 =	sadd.s32 $0xFFFFFEF7, lr;
	s5 =	simm.s32 $0xFFFFFFFF;
	p2 =	slt.u32 s8, $0xFFFFF086  }
0x1c: {  	p1 =	slt.u32 s9, $0xF7A;
	s5 =	simm.s32 @!p2 $0x0  }
0x1d: {  	s5 =	simm.s32 @p1 $0x1;
	p0 =	seq.s32 s7, s2  }
0x1e: {  	s7 =	smul.u32 @!p0 $0xF7A, s2;
	p2 =	seq.s32 @!p0 s5, $0x0  }
0x1f: {  	s9 =	smul.u32 $0xF7A, s1;
	s8 =	simm.s32 @!p0 $0x1BF5;
	p2 =	por !p2, p0  }
0x20: {  	[sflag:s8] =	ssyncset.s32 @!p0 $0xFFFFF086;
	s6 =	sadd.s32 @!p0 s3, s7;
	s7 =	simm.s32 @!p0 $0x108  }
0x21: {  	s3 =	sadd.s32 s3, s9;
	s6 =	sadd.s32 @!p0 $0x88, s6;
	s7 =	simm.s32 @p2 $0x1082  }
0x22: {  	[simem:s7], [sflag:s8] =	dma.local @!p0 [hbm:s6], $0xF7A  }
0x23: {  	s9 =	sor.u32 $0xD0000000, s2;
	s6 =	simm.s32 $0x108;
	_ =	swait.ge @!p0 [sflag:s8], $0x0  }
0x24: {  	s3 =	sadd.s32 $0x88, s3;
	s6 =	simm.s32 @!p1 $0x1082;
	[sflag:s4] =	ssyncset.s32 $0xFFFFF086  }
0x25: {  	[simem:s6], [sflag:s4] =	dma.local [hbm:s3], $0xF7A  }
0x26: {  	[smem:$0x3F97] =	sst s1;
	(tag) =	ssettag s2;
	_ =	strace s9  }
0x27: {  	s1 =	sld [smem:$0x3FA7]  }
0x28: {  	s2 =	sld [smem:$0x3FA8]  }
0x29: {  	s4 =	sld [smem:$0x3FAA]  }
0x2a: {  	p0 =	seq.s32 s5, $0x0;
	s5 =	sld [smem:$0x3FAB]  }
0x2b: {  	s6 =	sld [smem:$0x3FAC]  }
0x2c: {  	s7 =	sld [smem:$0x3FAD]  }
0x2d: {  	s3 =	simm.s32 $0x108;
	s8 =	sld [smem:$0x3FAE]  }
0x2e: {  	s3 =	simm.s32 @!p0 $0x1082;
	s9 =	sld [smem:$0x3FAF]  }
0x2f: {  	lr =	sadd.s32 s0, s3;
	s0 =	sld [smem:$0x3FA6]  }
0x30: {  	s3 =	sld [smem:$0x3FA9]  }
0x31: {  	[smem:$0x3FB2] =	sst s10  }
0x32: {  	s10 =	sld [smem:$0x3FB0];
	_ =	sdelay $0x3  }
0x33: {  	p0 =	seq.s32 s10, $0x1;
	s10 =	sld [smem:$0x3FB2];
	_ =	sdelay $0x3  }
0x34: {  	[smem:$0x3FB2] =	sst s10  }
0x35: {  	s10 =	sld [smem:$0x3FB1];
	_ =	sdelay $0x3  }
0x36: {  	p1 =	seq.s32 s10, $0x1;
	s10 =	sld [smem:$0x3FB2];
	_ =	sdelay $0x3  }
0x37: {  	[smem:$0x3FB2] =	sst s10  }
0x38: {  	s10 =	sld [smem:$0x3FB3]  }
0x39: {  	_ = 	snop;
	(pc) =	sbr.ind lr, $3  }
0x3a: {  	_ = 	snop  }
0x3b: {  	_ = 	snop  }
0x3c: {  	p2 =	seq.s32 s10, $0x1;
	s10 =	sld [smem:$0x3FB2]  }
0x3d: {  	_ =	shalt  }
0x3e: {  	_ =	shalt  }
0x3f: {  	_ =	shalt  }
0x40: {  	_ =	shalt  }
0x41: {  	_ =	shalt  }
0x42: {  	_ =	shalt  }
0x43: {  	_ =	shalt  }
0x44: {  	_ =	shalt  }
0x45: {  	_ =	shalt  }
0x46: {  	_ =	shalt  }
0x47: {  	_ =	shalt  }
0x48: {  	_ =	shalt  }
0x49: {  	_ =	shalt  }
0x4a: {  	_ =	shalt  }
0x4b: {  	_ =	shalt  }
0x4c: {  	_ =	shalt  }
0x4d: {  	_ =	shalt  }
0x4e: {  	_ =	shalt  }
0x4f: {  	_ =	shalt  }
0x50: {  	_ =	shalt  }
0x51: {  	_ =	shalt  }
0x52: {  	_ =	shalt  }
0x53: {  	_ =	shalt  }
0x54: {  	_ =	shalt  }
0x55: {  	_ =	shalt  }
0x56: {  	_ =	shalt  }
0x57: {  	_ =	shalt  }
0x58: {  	_ =	shalt  }
0x59: {  	_ =	shalt  }
0x5a: {  	_ =	shalt  }
0x5b: {  	_ =	shalt  }
0x5c: {  	_ =	shalt  }
0x5d: {  	_ =	shalt  }
0x5e: {  	_ =	shalt  }
0x5f: {  	_ =	shalt  }
0x60: {  	_ =	shalt  }
0x61: {  	_ =	shalt  }
0x62: {  	_ =	shalt  }
0x63: {  	_ =	shalt  }
0x64: {  	_ =	shalt  }
0x65: {  	_ =	shalt  }
0x66: {  	_ =	shalt  }
0x67: {  	_ =	shalt  }
0x68: {  	_ =	shalt  }
0x69: {  	_ =	shalt  }
0x6a: {  	_ =	shalt  }
0x6b: {  	_ =	shalt  }
0x6c: {  	_ =	shalt  }
0x6d: {  	_ =	shalt  }
0x6e: {  	_ =	shalt  }
0x6f: {  	_ =	shalt  }
0x70: {  	_ =	shalt  }
0x71: {  	_ =	shalt  }
0x72: {  	_ =	shalt  }
0x73: {  	_ =	shalt  }
0x74: {  	_ =	shalt  }
0x75: {  	_ =	shalt  }
0x76: {  	_ =	shalt  }
0x77: {  	_ =	shalt  }
0x78: {  	_ =	shalt  }
0x79: {  	_ =	shalt  }
0x7a: {  	_ =	shalt  }
0x7b: {  	_ =	shalt  }
0x7c: {  	_ =	shalt  }
0x7d: {  	_ =	shalt  }
0x7e: {  	_ =	shalt  }
0x7f: {  	_ =	shalt  }
0x80: {  	_ =	shalt  }
0x81: {  	_ =	shalt  }
0x82: {  	_ =	shalt  }
0x83: {  	_ =	shalt  }
0x84: {  	_ =	shalt  }
0x85: {  	_ =	shalt  }
0x86: {  	_ =	shalt  }
0x87: {  	_ =	shalt  }
.Lfunc_end0:
.L_simem_size_0:
called_computation_lowered:
.L_overlay_start_0:
0x88: {  	s2 =	sld [smem:$0x3FD9]  }
0x89: {  	s3 =	sld [smem:$0x3FFE];
	_ =	sdelay $0x1  }
0x8a: {  	s1 =	srdreg.scid  }
0x8b: {  	s0 =	sand.u32 $0x1, s1  }
0x8c: {  	s17 =	sshll.u32 s0, $0xA;
	s2 =	sadd.s32 s3, s2  }
0x8d: {  	s2 =	sadd.s32 s2, s17  }
0x8e: {  	[smem:$0x3FBE] =	sst s2  }
0x8f: {  	_ = 	snop  }
0x90: {  	s2 =	sld [smem:$0x3FC9]  }
0x91: {  	s18 =	sld [smem:$0x3FD0];
	(tm) =	ssettm $0x1  }
0x92: {  	s4 =	sld [smem:$0x3FFB];
	_ =	sdelay $0x3  }
0x93: {  	_ =	strace s4  }
0x94: {  	s4 =	sld [smem:$0x3FFC];
	_ =	sdelay $0x3  }
0x95: {  	_ =	strace s4  }
0x96: {  	s4 =	sld [smem:$0x3FFD];
	_ =	sdelay $0x3  }
0x97: {  	_ =	strace s4  }
0x98: {  	_ =	strace $0x8FFFFFFF  }
0x99: {  	s19 =	sld [smem:$0x3FDB];
	_ =	sdelay $0x1  }
0x9a: {  	s5 =	simm.s32 $_scs_section_size  }
0x9b: {  	s6 =	simm.s32 $_size__tile_overlayer_lowered;
	s7 =	simm.s32 $_tile_overlayer_lowered  }
0x9c: {  	s22 =	simm.s32 $0x1BFF;
	s21 =	sshll.u32 s7, $0x1;
	s4 =	sadd.s32 s5, s19  }
0x9d: {  	s8 =	simm.s32 $0x0;
	s20 =	sshll.u32 s6, $0x1;
	s6 =	sadd.s32 s21, s4  }
0x9e: {  	[timem:s8], [sflag:s22] =	dma.local [hbm:s6], s20  }
0x9f: {  	_ =	swait.ge [sflag:s22], s20  }
0xa0: {  	s5 =	ssub.s32 $0x0, s20;
	[sflag:s22] =	ssyncset.done $0x0  }
0xa1: {  	[sflag:s22] =	ssyncadd.s32 s5;
	_ =	sdelay $0x1  }
0xa2: {  	s23 =	simm.s32 $0x1B8B  }
0xa3: {  	_ =	swait.ge [sflag:s23], $0x1  }
0xa4: {  	[sflag:s23] =	ssyncset.done $0x0  }
0xa5: {  	s25 =	simm.s32 $0x1B8E;
	s24 =	sld [smem:$0x3FFE];
	[sflag:s23] =	ssyncadd.s32 $0xFFFFFFFF  }
0xa6: {  	s26 =	simm.s32 $execute0_lowered;
	[smem:$0x3FD2] =	sst s25  }
0xa7: {  	s6 =	sshll.u32 s26, $0x1;
	_ =	strace $0x80000046;
	[dreg:$0x1] =	wrdreg $0xFFFFFFFF  }
0xa8: {  	s28 =	simm.s32 $_size_execute0_lowered;
	s4 =	sadd.s32 s4, s6;
	[dreg:$0x0] =	wrdreg $0x0  }
0xa9: {  	s6 =	sshll.u32 s28, $0x1;
	[dreg:$0x2] =	wrdreg s4  }
0xaa: {  	[dreg:$0x3] =	wrdreg s6  }
0xab: {  	[dreg:$0x4] =	wrdreg $0xC0  }
0xac: {  	_ =	task [dreg:s8], $0x5FFFF  }
0xad: {  	[dreg:$0x1] =	wrdreg $0xFFFFFFFF  }
0xae: {  	[dreg:$0x0] =	wrdreg $0x60  }
0xaf: {  	[dreg:$0x2] =	wrdreg s2  }
0xb0: {  	[dreg:$0x3] =	wrdreg s24  }
0xb1: {  	[dreg:$0x4] =	wrdreg s18  }
0xb2: {  	[dreg:$0x5] =	wrdreg $0x8A200  }
0xb3: {  	[dreg:$0x6] =	wrdreg $0x1CCA00  }
0xb4: {  	[dreg:$0x7] =	wrdreg $0x9  }
0xb5: {  	_ =	task.clear_ibuf [dreg:s8], $0x8FFFF;
	_ =	strace $0x90000046  }
0xb6: {  	s29 =	simm.s32 $0x9;
	_ =	strace $0x80000048  }
0xb7: {  	_ =	swait.ge [sflag:s29], $0x1  }
0xb8: {  	[sflag:s29] =	ssyncadd.s32 $0xFFFFFFFF  }
0xb9: {  	_ =	strace $0x90000048  }
0xba: {  	_ =	sfence  }
0xbb: {  	s30 =	sld [smem:$0x0];
	_ =	sdelay $0x2  }
0xbc: {  	s31 =	sshll.u32 s1, $0xD;
	s1 =	sshrl.u32 s1, $0x2  }
0xbd: {  	s3 =	sand.u32 $0x4000, s31;
	s1 =	sadd.s32 s1, s30  }
0xbe: {  	s0 =	sor.u32 s3, s0;
	s1 =	sshll.u32 s1, $0x11  }
0xbf: {  	s0 =	sor.u32 s1, s0  }
0xc0: {  	s0 =	sadd.s32 $0x8F2B, s0  }
0xc1: {  	[sflag:s0] =	ssyncadd.remote.s32 $0x1  }
0xc2: {  	_ =	sfence.sel $0xFFFF  }
0xc3: {  	[dreg:$0x0] =	wrdreg $0xFFFFFFFF;
	(pc) =	sbr.abs _section_cstart, $3  }
0xc4: {  	[dreg:$0x1] =	wrdreg $0xFFFFFFFF  }
0xc5: {  	_ =	task.clear_ibuf [dreg:s8], $0x2FFFF;
	_ =	strace $0x9FFFFFFF  }
0xc6: {  	(tm) =	ssettm $0x7FFFFFFF  }
0xc7: {  	_ =	shalt  }
tec
execute0_lowered:
.L_overlay_start_1:
0x0: {  	(tag) =	ssettag $0x1  }
0x1: {  	s0 =	rddreg [dreg:$0x0]  }
0x2: {  	s1 =	rddreg [dreg:$0x1]  }
0x3: {  	s2 =	rddreg [dreg:$0x2];
	s12 =	stileid.u32  }
0x4: {  	s3 =	rddreg [dreg:$0x3];
	s10 =	smul.u32 $0x14000, s12  }
0x5: {  	s5 =	srdreg.scid;
	s13 =	smul.u32 $0x50000, s12  }
0x6: {  	s4 =	rddreg [dreg:$0x4];
	s14 =	smul.u32 $0x2800, s12  }
0x7: {  	s31 =	simm.s32 $0x4E20;
	s6 =	sand.u32 $0x1, s5;
	s22 =	smul.u32 $0xA000, s12  }
0x8: {  	s7 =	sshll.u32 s12, $0x1;
	s5 =	simm.s32 $0x0;
	s8 =	smul.u32 $0x28000, s6  }
0x9: {  	s7 =	sor.u32 s6, s7;
	s9 =	ssub.s32 $0x2, s6;
	s6 =	smul.u32 $0x5000, s6  }
0xa: {  	s12 =	simm.s32 $0x3;
	[smem:$0x7FF] =	sst s5;
	s7 =	smul.u32 $0x4E2, s7  }
0xb: {  	_ =	strace $0x80000047;
	s26 =	sshrl.u32 s9, $0x1;
	s15 =	sshrl.u32 s14, $0x3  }
0xc: {  	s9 =	ssub.s32 s9, s26;
	s2 =	sadd.s32 s2, s6;
	s26 =	sshrl.u32 s22, $0x2  }
0xd: {  	s7 =	sadd.s32 s7, s1;
	s1 =	sadd.s32 s8, s1;
	s9 =	smax.u32 s9, $0x1  }
0xe: {  	s8 =	sshrl.u32 s13, $0x2;
	s11 =	sadd.s32 $0xC400, s7;
	[dreg:$0x8] =	wrdreg s9  }
0xf: {  	s7 =	sadd.s32 $0x2600, s7;
	s8 =	sadd.s32 s8, s3;
	[dreg:$0x6] =	wrdreg s11  }
0x10: {  	s6 =	simm.s32 $0x6220;
	[dreg:$0x7] =	wrdreg s7;
	s16 =	sadd.s32 $0x1400, s8  }
0x11: {  	s13 =	simm.s32 $0x4DF8;
	s17 =	sadd.s32 $0x2800, s8;
	[dreg:$0x9] =	wrdreg s16  }
0x12: {  	s1 =	sadd.s32 $0x16200, s1;
	s18 =	sadd.s32 $0x3C00, s8;
	[dreg:$0xa] =	wrdreg s17  }
0x13: {  	s9 =	simm.s32 $0x1;
	s19 =	sadd.s32 $0x5000, s8;
	[dreg:$0xb] =	wrdreg s18  }
0x14: {  	s11 =	sshrl.u32 s10, $0x3;
	s20 =	sadd.s32 $0x6400, s8;
	[dreg:$0xc] =	wrdreg s19  }
0x15: {  	s10 =	sadd.s32 s10, s3;
	s21 =	sadd.s32 $0x7800, s8;
	[dreg:$0xd] =	wrdreg s20  }
0x16: {  	s7 =	sadd.s32 s14, s4;
	s23 =	sadd.s32 $0x8C00, s8;
	[dreg:$0xe] =	wrdreg s21  }
0x17: {  	s24 =	sadd.s32 $0xA000, s8;
	s25 =	sadd.s32 $0xB400, s8;
	[dreg:$0xf] =	wrdreg s23  }
0x18: {  	s22 =	sadd.s32 $0xDC00, s8;
	s28 =	sadd.s32 $0x10400, s8;
	[dreg:$0x10] =	wrdreg s24  }
0x19: {  	s29 =	sadd.s32 $0x11800, s8;
	s30 =	sadd.s32 $0x12C00, s8;
	[dreg:$0x11] =	wrdreg s25  }
0x1a: {  	s19 =	sadd.s32 s11, s1;
	s20 =	sadd.s32 $0xC800, s8;
	s21 =	sadd.s32 s15, s2  }
0x1b: {  	s23 =	sadd.s32 s26, s4;
	s24 =	sshrl.u32 s10, $0x3;
	s25 =	sshrl.u32 s7, $0x3  }
0x1c: {  	v0 =	vimm.f32 $0.0e+00;
	vm0 =	vcmask $0x300;
	s26 =	sadd.s32 $0xF000, s8;
	s2 =	simm.s32 $0x4;
	s1 =	simm.s32 $0x28  }
0x1d: {  	v1 =	vsel vm0, $0x3F800000, v0;
	s7 =	simm.s32 $0x7620;
	s10 =	simm.s32 $0x1CA20;
	s11 =	simm.s32 $0x2  }
.LBB2_1:
0x1e: {  	s14 =	simm.s32 $0x70;
	s15 =	simm.s32 $0x3C0  }
.LBB2_2:
0x1f: {  	p0 =	sne.s32 s15, $0x4FC0;
	[tilespmem:s14+$0x4E20] =	vst v0  }
0x20: {  	[tilespmem:s14+$0x4DB0] =	vst v0  }
0x21: {  	[tilespmem:s14+$0x4DC0] =	vst v0  }
.Ltmp0:
0x22: {  	[tilespmem:s14+$0x4DD0] =	vst v0;
	(pc) =	sbr.rel @p0 .LBB2_2-.Ltmp0, $4  }
0x23: {  	[tilespmem:s14+$0x4DE0] =	vst v0  }
0x24: {  	[tilespmem:s14+$0x4DF0] =	vst v0  }
0x25: {  	[tilespmem:s14+$0x4E00] =	vst v0  }
0x26: {  	[tilespmem:s14+$0x4E10] =	vst v0;
	s14 =	sshra.s32 s15, $0x2;
	s15 =	sadd.s32 $0x200, s15  }
0x27: {  	[tilespmem:s14+$0x4E20] =	vst v0  }
0x28: {  	[tilespmem:s14+$0x4DB0] =	vst v0  }
0x29: {  	[tilespmem:s14+$0x4DC0] =	vst v0  }
0x2a: {  	[tilespmem:s14+$0x4DD0] =	vst v0  }
0x2b: {  	[tilespmem:s14+$0x4DE0] =	vst v0  }
0x2c: {  	[tilespmem:s14+$0x4DF0] =	vst v0  }
0x2d: {  	[tilespmem:s14+$0x4E00] =	vst v0  }
0x2e: {  	[tilespmem:s14+$0x4E10] =	vst v0  }
0x2f: {  	[spmem:s8] =	stream.linear.scatter [tilespmem:s31], [sflag:$0x4], $0x1400, $0x38;
	[tilespmem:$0x1F4A0] =	vst v63  }
0x30: {  	_ =	swait.ge [sflag:s2], $0x1400  }
0x31: {  	[sflag:s2] =	ssyncset.done $0x0  }
0x32: {  	s18 =	rddreg [dreg:$0x9];
	[sflag:s2] =	ssyncadd.s32 $0xFFFFEC00  }
0x33: {  	[spmem:s18] =	stream.linear.scatter [tilespmem:s31], [sflag:$0x4], $0x1400, $0x38;
	[tilespmem:$0x1F4A0] =	vst v63  }
0x34: {  	_ =	swait.ge [sflag:s2], $0x1400  }
0x35: {  	[sflag:s2] =	ssyncset.done $0x0  }
0x36: {  	s15 =	rddreg [dreg:$0xa];
	[sflag:s2] =	ssyncadd.s32 $0xFFFFEC00  }
0x37: {  	[spmem:s15] =	stream.linear.scatter [tilespmem:s31], [sflag:$0x4], $0x1400, $0x38;
	[tilespmem:$0x1F4A0] =	vst v63  }
0x38: {  	_ =	swait.ge [sflag:s2], $0x1400  }
0x39: {  	[sflag:s2] =	ssyncset.done $0x0  }
0x3a: {  	s16 =	rddreg [dreg:$0xb];
	[sflag:s2] =	ssyncadd.s32 $0xFFFFEC00  }
0x3b: {  	[spmem:s16] =	stream.linear.scatter [tilespmem:s31], [sflag:$0x4], $0x1400, $0x38;
	[tilespmem:$0x1F4A0] =	vst v63  }
0x3c: {  	_ =	swait.ge [sflag:s2], $0x1400  }
0x3d: {  	[sflag:s2] =	ssyncset.done $0x0  }
0x3e: {  	s17 =	rddreg [dreg:$0xc];
	[sflag:s2] =	ssyncadd.s32 $0xFFFFEC00  }
0x3f: {  	[spmem:s17] =	stream.linear.scatter [tilespmem:s31], [sflag:$0x4], $0x1400, $0x38;
	[tilespmem:$0x1F4A0] =	vst v63  }
0x40: {  	_ =	swait.ge [sflag:s2], $0x1400  }
0x41: {  	[sflag:s2] =	ssyncset.done $0x0  }
0x42: {  	s18 =	rddreg [dreg:$0xd];
	[sflag:s2] =	ssyncadd.s32 $0xFFFFEC00  }
0x43: {  	[spmem:s18] =	stream.linear.scatter [tilespmem:s31], [sflag:$0x4], $0x1400, $0x38;
	[tilespmem:$0x1F4A0] =	vst v63  }
0x44: {  	_ =	swait.ge [sflag:s2], $0x1400  }
0x45: {  	[sflag:s2] =	ssyncset.done $0x0  }
0x46: {  	s15 =	rddreg [dreg:$0xe];
	[sflag:s2] =	ssyncadd.s32 $0xFFFFEC00  }
0x47: {  	[spmem:s15] =	stream.linear.scatter [tilespmem:s31], [sflag:$0x4], $0x1400, $0x38;
	[tilespmem:$0x1F4A0] =	vst v63  }
0x48: {  	_ =	swait.ge [sflag:s2], $0x1400  }
0x49: {  	[sflag:s2] =	ssyncset.done $0x0  }
0x4a: {  	s16 =	rddreg [dreg:$0xf];
	[sflag:s2] =	ssyncadd.s32 $0xFFFFEC00  }
0x4b: {  	[spmem:s16] =	stream.linear.scatter [tilespmem:s31], [sflag:$0x4], $0x1400, $0x38;
	[tilespmem:$0x1F4A0] =	vst v63  }
0x4c: {  	_ =	swait.ge [sflag:s2], $0x1400  }
0x4d: {  	[sflag:s2] =	ssyncset.done $0x0  }
0x4e: {  	s17 =	rddreg [dreg:$0x10];
	[sflag:s2] =	ssyncadd.s32 $0xFFFFEC00  }
0x4f: {  	[spmem:s17] =	stream.linear.scatter [tilespmem:s31], [sflag:$0x4], $0x1400, $0x38;
	[tilespmem:$0x1F4A0] =	vst v63  }
0x50: {  	_ =	swait.ge [sflag:s2], $0x1400  }
0x51: {  	[sflag:s2] =	ssyncset.done $0x0  }
0x52: {  	s18 =	rddreg [dreg:$0x11];
	[sflag:s2] =	ssyncadd.s32 $0xFFFFEC00  }
0x53: {  	[spmem:s18] =	stream.linear.scatter [tilespmem:s31], [sflag:$0x4], $0x1400, $0x38;
	[tilespmem:$0x1F4A0] =	vst v63  }
0x54: {  	_ =	swait.ge [sflag:s2], $0x1400  }
0x55: {  	[sflag:s2] =	ssyncset.done $0x0  }
0x56: {  	[sflag:s2] =	ssyncadd.s32 $0xFFFFEC00  }
0x57: {  	[spmem:s20] =	stream.linear.scatter [tilespmem:s31], [sflag:$0x4], $0x1400, $0x38;
	[tilespmem:$0x1F4A0] =	vst v63  }
0x58: {  	_ =	swait.ge [sflag:s2], $0x1400  }
0x59: {  	[sflag:s2] =	ssyncset.done $0x0  }
0x5a: {  	[sflag:s2] =	ssyncadd.s32 $0xFFFFEC00  }
0x5b: {  	[spmem:s22] =	stream.linear.scatter [tilespmem:s31], [sflag:$0x4], $0x1400, $0x38;
	[tilespmem:$0x1F4A0] =	vst v63  }
0x5c: {  	_ =	swait.ge [sflag:s2], $0x1400  }
0x5d: {  	[sflag:s2] =	ssyncset.done $0x0  }
0x5e: {  	[sflag:s2] =	ssyncadd.s32 $0xFFFFEC00  }
0x5f: {  	[spmem:s26] =	stream.linear.scatter [tilespmem:s31], [sflag:$0x4], $0x1400, $0x38;
	[tilespmem:$0x1F4A0] =	vst v63  }
0x60: {  	_ =	swait.ge [sflag:s2], $0x1400  }
0x61: {  	[sflag:s2] =	ssyncset.done $0x0  }
0x62: {  	[sflag:s2] =	ssyncadd.s32 $0xFFFFEC00  }
0x63: {  	[spmem:s28] =	stream.linear.scatter [tilespmem:s31], [sflag:$0x4], $0x1400, $0x38;
	[tilespmem:$0x1F4A0] =	vst v63  }
0x64: {  	_ =	swait.ge [sflag:s2], $0x1400  }
0x65: {  	[sflag:s2] =	ssyncset.done $0x0  }
0x66: {  	[sflag:s2] =	ssyncadd.s32 $0xFFFFEC00  }
0x67: {  	[spmem:s29] =	stream.linear.scatter [tilespmem:s31], [sflag:$0x4], $0x1400, $0x38;
	[tilespmem:$0x1F4A0] =	vst v63  }
0x68: {  	_ =	swait.ge [sflag:s2], $0x1400  }
0x69: {  	[sflag:s2] =	ssyncset.done $0x0  }
0x6a: {  	[sflag:s2] =	ssyncadd.s32 $0xFFFFEC00  }
0x6b: {  	[spmem:s30] =	stream.linear.scatter [tilespmem:s31], [sflag:$0x4], $0x1400, $0x38;
	[tilespmem:$0x1F4A0] =	vst v63  }
0x6c: {  	_ =	swait.ge [sflag:s2], $0x1400  }
0x6d: {  	[sflag:s2] =	ssyncset.done $0x0  }
0x6e: {  	[sflag:s2] =	ssyncadd.s32 $0xFFFFEC00  }
0x6f: {  	[tilespmem:$0x1CA20] =	vst v1  }
0x70: {  	[tilespmem:$0x1CA30] =	vst v1  }
0x71: {  	[tilespmem:$0x1CA40] =	vst v1  }
0x72: {  	[tilespmem:$0x1CA50] =	vst v1  }
0x73: {  	[tilespmem:$0x1CA60] =	vst v1  }
0x74: {  	[tilespmem:$0x1CA70] =	vst v1  }
0x75: {  	[tilespmem:$0x1CA80] =	vst v1  }
0x76: {  	[tilespmem:$0x1CA90] =	vst v1  }
0x77: {  	[tilespmem:$0x1CAA0] =	vst v1  }
0x78: {  	[tilespmem:$0x1CAB0] =	vst v1  }
0x79: {  	[tilespmem:$0x1CAC0] =	vst v1  }
0x7a: {  	[tilespmem:$0x1CAD0] =	vst v1  }
0x7b: {  	[tilespmem:$0x1CAE0] =	vst v1  }
0x7c: {  	[tilespmem:$0x1CAF0] =	vst v1  }
0x7d: {  	[tilespmem:$0x1CB00] =	vst v1  }
0x7e: {  	[tilespmem:$0x1CB10] =	vst v1  }
0x7f: {  	[tilespmem:$0x1CB20] =	vst v1  }
0x80: {  	[tilespmem:$0x1CB30] =	vst v1  }
0x81: {  	[tilespmem:$0x1CB40] =	vst v1  }
0x82: {  	[tilespmem:$0x1CB50] =	vst v1  }
0x83: {  	[tilespmem:$0x1CB60] =	vst v1  }
0x84: {  	[tilespmem:$0x1CB70] =	vst v1  }
0x85: {  	[tilespmem:$0x1CB80] =	vst v1  }
0x86: {  	[tilespmem:$0x1CB90] =	vst v1  }
0x87: {  	[tilespmem:$0x1CBA0] =	vst v1  }
0x88: {  	[tilespmem:$0x1CBB0] =	vst v1  }
0x89: {  	[tilespmem:$0x1CBC0] =	vst v1  }
0x8a: {  	[tilespmem:$0x1CBD0] =	vst v1  }
0x8b: {  	[tilespmem:$0x1CBE0] =	vst v1  }
0x8c: {  	[tilespmem:$0x1CBF0] =	vst v1  }
0x8d: {  	[tilespmem:$0x1CC00] =	vst v1  }
0x8e: {  	[tilespmem:$0x1CC10] =	vst v1  }
0x8f: {  	[tilespmem:$0x1CC20] =	vst v1  }
0x90: {  	[tilespmem:$0x1CC30] =	vst v1  }
0x91: {  	[tilespmem:$0x1CC40] =	vst v1  }
0x92: {  	[tilespmem:$0x1CC50] =	vst v1  }
0x93: {  	[tilespmem:$0x1CC60] =	vst v1  }
0x94: {  	[tilespmem:$0x1CC70] =	vst v1  }
0x95: {  	[tilespmem:$0x1CC80] =	vst v1  }
0x96: {  	s14 =	simm.s32 $0x0;
	s15 =	smov.u32 s23;
	[tilespmem:$0x1CC90] =	vst v1  }
.LBB2_4:
0x97: {  	s16 =	simm.s32 $0x4E20;
	s17 =	sadd.s32 $0x0, s15  }
0x98: {  	[spmem:s17] =	stream.linear.scatter [tilespmem:s16], [sflag:$0x4], $0x10, $0x38;
	[tilespmem:$0x1F4A0] =	vst v63  }
0x99: {  	s17 =	simm.s32 $0x40  }
.LBB2_5:
0x9a: {  	p0 =	sne.s32 s17, $0x9C0  }
.Ltmp1:
0x9b: {  	_ = 	snop;
	(pc) =	sbr.rel @p0 .LBB2_5-.Ltmp1, $4  }
0x9c: {  	_ = 	snop  }
0x9d: {  	s18 =	sshra.s32 s17, $0x2;
	s17 =	sadd.s32 $0x40, s17  }
0x9e: {  	s16 =	sadd.s32 $0x80, s16;
	s18 =	sadd.s32 s18, s15  }
0x9f: {  	[spmem:s18] =	stream.linear.scatter [tilespmem:s16], [sflag:$0x4], $0x10, $0x38;
	[tilespmem:$0x1F4A0] =	vst v63  }
0xa0: {  	s14 =	sadd.s32 $0x1, s14  }
0xa1: {  	p0 =	sne.s32 s14, $0x10  }
.Ltmp2:
0xa2: {  	_ = 	snop;
	(pc) =	sbr.rel @p0 .LBB2_4-.Ltmp2, $4  }
0xa3: {  	_ = 	snop  }
0xa4: {  	_ =	swait.ge [sflag:s2], $0x280  }
0xa5: {  	[sflag:s2] =	ssyncset.done $0x0  }
0xa6: {  	s15 =	sadd.s32 $0x280, s15;
	[sflag:s2] =	ssyncadd.s32 $0xFFFFFD80  }
0xa7: {  	[bflag:$0x0] =	sbarrier.arrive $0xFFFF  }
0xa8: {  	s14 =	simm.s32 $0x0;
	s15 =	rddreg [dreg:$0x6]  }
0xa9: {  	[tilespmem:s14], [sflag:$0x4] =	stream.linear.gather [hbm4b:s15+s14], $0x2710, $0x38;
	[tilespmem:$0x1F4A0] =	vst v63  }
0xaa: {  	_ =	swait.ge [sflag:s2], $0x2710  }
0xab: {  	[sflag:s2] =	ssyncset.done $0x0  }
0xac: {  	s16 =	simm.s32 $0x2710;
	s18 =	rddreg [dreg:$0x7];
	[sflag:s2] =	ssyncadd.s32 $0xFFFFD8F0  }
0xad: {  	[tilespmem:s16], [sflag:$0x4] =	stream.linear.gather [hbm4b:s18+s14], $0x2710, $0x38;
	[tilespmem:$0x1F4A0] =	vst v63  }
0xae: {  	_ =	swait.ge [sflag:s2], $0x2710  }
0xaf: {  	[sflag:s2] =	ssyncset.done $0x0  }
0xb0: {  	s17 =	simm.s32 $0x0;
	[sflag:s2] =	ssyncadd.s32 $0xFFFFD8F0  }
0xb1: {  	[tilespmem:s31], [sflag:$0x1] =	stream.indirect.gather [hbm4b:s0+s1], $0x80, s17, s1, $0xb8;
	[tilespmem:$0x1F4A0] =	vst v63  }
0xb2: {  	s18 =	simm.s32 $0x28  }
0xb3: {  	[tilespmem:s6], [sflag:$0x2] =	stream.indirect.gather [hbm4b:s0+s1], $0x80, s18, s1, $0xb8;
	[tilespmem:$0x1F4A0] =	vst v63  }
0xb4: {  	s15 =	simm.s32 $0x50  }
0xb5: {  	[tilespmem:s7], [sflag:$0x3] =	stream.indirect.gather [hbm4b:s0+s1], $0x80, s15, s1, $0xb8;
	[tilespmem:$0x1F4A0] =	vst v63  }
0xb6: {  	_ =	swait.ge [sflag:s9], $0x1400  }
0xb7: {  	[sflag:s9] =	ssyncset.done $0x0  }
0xb8: {  	s16 =	simm.s32 $0x2710;
	[sflag:s9] =	ssyncadd.s32 $0xFFFFEC00  }
0xb9: {  	[spmem:s3] =	stream.indirect.scatter.add.f32 [tilespmem:s31], [sflag:$0x4], $0x80, s16, s1, $0xb8;
	[tilespmem:$0x1F4A0] =	vst v63  }
0xba: {  	_ =	swait.ge [sflag:s2], $0x1400  }
0xbb: {  	[sflag:s2] =	ssyncset.done $0x0  }
0xbc: {  	[sflag:s2] =	ssyncadd.s32 $0xFFFFEC00  }
0xbd: {  	[spmem:s4] =	stream.indirect.scatter.add.f32 [tilespmem:s10], [sflag:$0x4], $0x10, s16, s1, $0xb8;
	[tilespmem:$0x1F4A0] =	vst v63  }
0xbe: {  	_ =	swait.ge [sflag:s2], $0x280  }
0xbf: {  	[sflag:s2] =	ssyncset.done $0x0  }
0xc0: {  	[sflag:s2] =	ssyncadd.s32 $0xFFFFFD80  }
0xc1: {  	_ =	swait.ge [sflag:s11], $0x1400  }
0xc2: {  	[sflag:s11] =	ssyncset.done $0x0  }
0xc3: {  	s17 =	simm.s32 $0x2738;
	[sflag:s11] =	ssyncadd.s32 $0xFFFFEC00  }
0xc4: {  	[spmem:s3] =	stream.indirect.scatter.add.f32 [tilespmem:s6], [sflag:$0x4], $0x80, s17, s1, $0xb8;
	[tilespmem:$0x1F4A0] =	vst v63  }
0xc5: {  	_ =	swait.ge [sflag:s2], $0x1400  }
0xc6: {  	[sflag:s2] =	ssyncset.done $0x0  }
0xc7: {  	[sflag:s2] =	ssyncadd.s32 $0xFFFFEC00  }
0xc8: {  	[spmem:s4] =	stream.indirect.scatter.add.f32 [tilespmem:s10], [sflag:$0x4], $0x10, s17, s1, $0xb8;
	[tilespmem:$0x1F4A0] =	vst v63  }
0xc9: {  	_ =	swait.ge [sflag:s2], $0x280  }
0xca: {  	[sflag:s2] =	ssyncset.done $0x0  }
0xcb: {  	[sflag:s2] =	ssyncadd.s32 $0xFFFFFD80  }
0xcc: {  	_ =	swait.ge [sflag:s12], $0x1400  }
0xcd: {  	[sflag:s12] =	ssyncset.done $0x0  }
0xce: {  	s18 =	simm.s32 $0x2760;
	[sflag:s12] =	ssyncadd.s32 $0xFFFFEC00  }
0xcf: {  	[spmem:s3] =	stream.indirect.scatter.add.f32 [tilespmem:s7], [sflag:$0x4], $0x80, s18, s1, $0xb8;
	[tilespmem:$0x1F4A0] =	vst v63  }
0xd0: {  	_ =	swait.ge [sflag:s2], $0x1400  }
0xd1: {  	[sflag:s2] =	ssyncset.done $0x0  }
0xd2: {  	[sflag:s2] =	ssyncadd.s32 $0xFFFFEC00  }
0xd3: {  	[spmem:s4] =	stream.indirect.scatter.add.f32 [tilespmem:s10], [sflag:$0x4], $0x10, s18, s1, $0xb8;
	[tilespmem:$0x1F4A0] =	vst v63  }
0xd4: {  	_ =	swait.ge [sflag:s2], $0x280  }
0xd5: {  	s14 =	simm.s32 $0x1E0;
	s15 =	simm.s32 $0x3C0;
	[sflag:s2] =	ssyncset.done $0x0  }
.LBB2_8:
0xd6: {  	s16 =	sshra.s32 s14, $0x2  }
0xd7: {  	[sflag:s2] =	ssyncadd.s32 $0xFFFFFD80;
	s14 =	smov.u32 s15;
	s17 =	sadd.s32 $0x1E0, s15  }
0xd8: {  	[tilespmem:s31], [sflag:$0x1] =	stream.indirect.gather [hbm4b:s0+s1], $0x80, s16, s1, $0xb8;
	[tilespmem:$0x1F4A0] =	vst v63  }
0xd9: {  	p0 =	sne.s32 s15, $0x99C0;
	s15 =	sadd.s32 $0x28, s16  }
0xda: {  	[tilespmem:s6], [sflag:$0x2] =	stream.indirect.gather [hbm4b:s0+s1], $0x80, s15, s1, $0xb8;
	[tilespmem:$0x1F4A0] =	vst v63  }
0xdb: {  	s15 =	sadd.s32 $0x50, s16  }
0xdc: {  	[tilespmem:s7], [sflag:$0x3] =	stream.indirect.gather [hbm4b:s0+s1], $0x80, s15, s1, $0xb8;
	[tilespmem:$0x1F4A0] =	vst v63  }
0xdd: {  	_ =	swait.ge [sflag:s9], $0x1400  }
0xde: {  	[sflag:s9] =	ssyncset.done $0x0  }
0xdf: {  	s15 =	sadd.s32 $0x2710, s16;
	[sflag:s9] =	ssyncadd.s32 $0xFFFFEC00  }
0xe0: {  	[spmem:s3] =	stream.indirect.scatter.add.f32 [tilespmem:s31], [sflag:$0x4], $0x80, s15, s1, $0xb8;
	[tilespmem:$0x1F4A0] =	vst v63  }
0xe1: {  	_ =	swait.ge [sflag:s2], $0x1400  }
0xe2: {  	[sflag:s2] =	ssyncset.done $0x0  }
0xe3: {  	[sflag:s2] =	ssyncadd.s32 $0xFFFFEC00  }
0xe4: {  	[spmem:s4] =	stream.indirect.scatter.add.f32 [tilespmem:s10], [sflag:$0x4], $0x10, s15, s1, $0xb8;
	[tilespmem:$0x1F4A0] =	vst v63  }
0xe5: {  	_ =	swait.ge [sflag:s2], $0x280  }
0xe6: {  	[sflag:s2] =	ssyncset.done $0x0  }
0xe7: {  	[sflag:s2] =	ssyncadd.s32 $0xFFFFFD80  }
0xe8: {  	_ =	swait.ge [sflag:s11], $0x1400  }
0xe9: {  	[sflag:s11] =	ssyncset.done $0x0  }
0xea: {  	s15 =	sadd.s32 $0x2738, s16;
	[sflag:s11] =	ssyncadd.s32 $0xFFFFEC00  }
0xeb: {  	[spmem:s3] =	stream.indirect.scatter.add.f32 [tilespmem:s6], [sflag:$0x4], $0x80, s15, s1, $0xb8;
	[tilespmem:$0x1F4A0] =	vst v63  }
0xec: {  	_ =	swait.ge [sflag:s2], $0x1400  }
0xed: {  	[sflag:s2] =	ssyncset.done $0x0  }
0xee: {  	[sflag:s2] =	ssyncadd.s32 $0xFFFFEC00  }
0xef: {  	[spmem:s4] =	stream.indirect.scatter.add.f32 [tilespmem:s10], [sflag:$0x4], $0x10, s15, s1, $0xb8;
	[tilespmem:$0x1F4A0] =	vst v63  }
0xf0: {  	_ =	swait.ge [sflag:s2], $0x280  }
0xf1: {  	[sflag:s2] =	ssyncset.done $0x0  }
0xf2: {  	[sflag:s2] =	ssyncadd.s32 $0xFFFFFD80  }
0xf3: {  	_ =	swait.ge [sflag:s12], $0x1400  }
0xf4: {  	[sflag:s12] =	ssyncset.done $0x0  }
0xf5: {  	s15 =	sadd.s32 $0x2760, s16;
	[sflag:s12] =	ssyncadd.s32 $0xFFFFEC00  }
0xf6: {  	[spmem:s3] =	stream.indirect.scatter.add.f32 [tilespmem:s7], [sflag:$0x4], $0x80, s15, s1, $0xb8;
	[tilespmem:$0x1F4A0] =	vst v63  }
0xf7: {  	_ =	swait.ge [sflag:s2], $0x1400  }
.Ltmp3:
0xf8: {  	[sflag:s2] =	ssyncset.done $0x0;
	(pc) =	sbr.rel @p0 .LBB2_8-.Ltmp3, $4  }
0xf9: {  	[sflag:s2] =	ssyncadd.s32 $0xFFFFEC00  }
0xfa: {  	[spmem:s4] =	stream.indirect.scatter.add.f32 [tilespmem:s10], [sflag:$0x4], $0x10, s15, s1, $0xb8;
	[tilespmem:$0x1F4A0] =	vst v63  }
0xfb: {  	_ =	swait.ge [sflag:s2], $0x280  }
0xfc: {  	s15 =	smov.u32 s17;
	[sflag:s2] =	ssyncset.done $0x0  }
0xfd: {  	s14 =	sshra.s32 s14, $0x2;
	[sflag:s2] =	ssyncadd.s32 $0xFFFFFD80  }
0xfe: {  	[tilespmem:s31], [sflag:$0x1] =	stream.indirect.gather [hbm4b:s0+s1], $0x80, s14, s1, $0xb8;
	[tilespmem:$0x1F4A0] =	vst v63  }
0xff: {  	s15 =	sadd.s32 $0x28, s14  }
0x100: {  	[tilespmem:s6], [sflag:$0x2] =	stream.indirect.gather [hbm4b:s0+s1], $0x80, s15, s1, $0xb8;
	[tilespmem:$0x1F4A0] =	vst v63  }
0x101: {  	s16 =	sadd.s32 $0x50, s14  }
0x102: {  	[tilespmem:s7], [sflag:$0x3] =	stream.indirect.gather [hbm4b:s0+s1], $0x80, s16, s1, $0xb8;
	[tilespmem:$0x1F4A0] =	vst v63  }
0x103: {  	_ =	swait.ge [sflag:s9], $0x1400  }
0x104: {  	[sflag:s9] =	ssyncset.done $0x0  }
0x105: {  	s17 =	sadd.s32 $0x2710, s14;
	[sflag:s9] =	ssyncadd.s32 $0xFFFFEC00  }
0x106: {  	[spmem:s3] =	stream.indirect.scatter.add.f32 [tilespmem:s31], [sflag:$0x4], $0x80, s17, s1, $0xb8;
	[tilespmem:$0x1F4A0] =	vst v63  }
0x107: {  	_ =	swait.ge [sflag:s2], $0x1400  }
0x108: {  	[sflag:s2] =	ssyncset.done $0x0  }
0x109: {  	[sflag:s2] =	ssyncadd.s32 $0xFFFFEC00  }
0x10a: {  	[spmem:s4] =	stream.indirect.scatter.add.f32 [tilespmem:s10], [sflag:$0x4], $0x10, s17, s1, $0xb8;
	[tilespmem:$0x1F4A0] =	vst v63  }
0x10b: {  	_ =	swait.ge [sflag:s2], $0x280  }
0x10c: {  	[sflag:s2] =	ssyncset.done $0x0  }
0x10d: {  	[sflag:s2] =	ssyncadd.s32 $0xFFFFFD80  }
0x10e: {  	_ =	swait.ge [sflag:s11], $0x1400  }
0x10f: {  	[sflag:s11] =	ssyncset.done $0x0  }
0x110: {  	s18 =	sadd.s32 $0x2738, s14;
	[sflag:s11] =	ssyncadd.s32 $0xFFFFEC00  }
0x111: {  	[spmem:s3] =	stream.indirect.scatter.add.f32 [tilespmem:s6], [sflag:$0x4], $0x80, s18, s1, $0xb8;
	[tilespmem:$0x1F4A0] =	vst v63  }
0x112: {  	_ =	swait.ge [sflag:s2], $0x1400  }
0x113: {  	[sflag:s2] =	ssyncset.done $0x0  }
0x114: {  	[sflag:s2] =	ssyncadd.s32 $0xFFFFEC00  }
0x115: {  	[spmem:s4] =	stream.indirect.scatter.add.f32 [tilespmem:s10], [sflag:$0x4], $0x10, s18, s1, $0xb8;
	[tilespmem:$0x1F4A0] =	vst v63  }
0x116: {  	_ =	swait.ge [sflag:s2], $0x280  }
0x117: {  	[sflag:s2] =	ssyncset.done $0x0  }
0x118: {  	[sflag:s2] =	ssyncadd.s32 $0xFFFFFD80  }
0x119: {  	_ =	swait.ge [sflag:s12], $0x1400  }
0x11a: {  	[sflag:s12] =	ssyncset.done $0x0  }
0x11b: {  	s14 =	sadd.s32 $0x2760, s14;
	[sflag:s12] =	ssyncadd.s32 $0xFFFFEC00  }
0x11c: {  	[spmem:s3] =	stream.indirect.scatter.add.f32 [tilespmem:s7], [sflag:$0x4], $0x80, s14, s1, $0xb8;
	[tilespmem:$0x1F4A0] =	vst v63  }
0x11d: {  	_ =	swait.ge [sflag:s2], $0x1400  }
0x11e: {  	[sflag:s2] =	ssyncset.done $0x0  }
0x11f: {  	[sflag:s2] =	ssyncadd.s32 $0xFFFFEC00  }
0x120: {  	[spmem:s4] =	stream.indirect.scatter.add.f32 [tilespmem:s10], [sflag:$0x4], $0x10, s14, s1, $0xb8;
	[tilespmem:$0x1F4A0] =	vst v63  }
0x121: {  	_ =	swait.ge [sflag:s2], $0x280  }
0x122: {  	[sflag:s2] =	ssyncset.done $0x0  }
0x123: {  	s16 =	simm.s32 $0x26E8;
	[sflag:s2] =	ssyncadd.s32 $0xFFFFFD80  }
0x124: {  	[tilespmem:s31], [sflag:$0x4] =	stream.indirect.gather [hbm4b:s0+s1], $0x80, s16, s1, $0xb8;
	[tilespmem:$0x1F4A0] =	vst v63  }
0x125: {  	_ =	swait.ge [sflag:s2], $0x1400  }
0x126: {  	[sflag:s2] =	ssyncset.done $0x0  }
0x127: {  	[sflag:s2] =	ssyncadd.s32 $0xFFFFEC00  }
0x128: {  	[spmem:s3] =	stream.indirect.scatter.add.f32 [tilespmem:s31], [sflag:$0x4], $0x80, s13, s1, $0xb8;
	[tilespmem:$0x1F4A0] =	vst v63  }
0x129: {  	_ =	swait.ge [sflag:s2], $0x1400  }
0x12a: {  	[sflag:s2] =	ssyncset.done $0x0  }
0x12b: {  	[sflag:s2] =	ssyncadd.s32 $0xFFFFEC00  }
0x12c: {  	[spmem:s4] =	stream.indirect.scatter.add.f32 [tilespmem:s10], [sflag:$0x4], $0x10, s13, s1, $0xb8;
	[tilespmem:$0x1F4A0] =	vst v63  }
0x12d: {  	_ =	swait.ge [sflag:s2], $0x280  }
0x12e: {  	s17 =	stileid.u32;
	[sflag:s2] =	ssyncset.done $0x0  }
0x12f: {  	s14 =	sshll.u32 s17, $0x6;
	[sflag:s2] =	ssyncadd.s32 $0xFFFFFD80  }
0x130: {  	s14 =	sor.u32 $0x1C04, s14;
	[bflag:$0x0] =	sbarrier.arrive $0xFFFF  }
0x131: {  	[hbm:s19], [sflag:s14] =	dma.local [spmem:s24], $0x2800  }
0x132: {  	_ =	swait.ge [sflag:s2], $0x2800  }
0x133: {  	[sflag:s2] =	ssyncset.done $0x0  }
0x134: {  	[sflag:s2] =	ssyncadd.s32 $0xFFFFD800  }
0x135: {  	[hbm:s21], [sflag:s14] =	dma.local [spmem:s25], $0x500  }
0x136: {  	_ =	swait.ge [sflag:s2], $0x500  }
0x137: {  	s5 =	sadd.s32 $0x1, s5;
	s18 =	rddreg [dreg:$0x8]  }
0x138: {  	p0 =	sne.s32 s5, s18  }
.Ltmp4:
0x139: {  	_ = 	snop;
	(pc) =	sbr.rel @p0 .LBB2_1-.Ltmp4, $3  }
0x13a: {  	_ =	sdelay $0x1  }
0x13b: {  	[sflag:s2] =	ssyncset.done $0x0  }
0x13c: {  	[sflag:s2] =	ssyncadd.s32 $0xFFFFFB00  }
0x13d: {  	_ =	sfence.sel $0x180000  }
0x13e: {  	[bflag:$0x0] =	sbarrier.arrive $0xFFFF  }
0x13f: {  	_ =	strace $0x90000047  }
0x140: {  	s0 =	stileid.u32;
	[bflag:$0x2] =	sbarrier.arrive $0xFFFF  }
0x141: {  	p0 =	sne.s32 s0, $0x0;
	s0 =	rddreg [dreg:$0x5]  }
0x142: {  	s0 =	sadd.s32 @!p0 $0x100000, s0  }
0x143: {  	[sflag:s0] =	ssyncadd.tile.s32 @!p0 $0x1;
	_ =	shalt  }
.Lfunc_end2:
_tile_overlayer_lowered:
.L_overlay_start_2:
0x144: {  	(tag) =	ssettag $0x2  }
0x145: {  	s0 =	rddreg [dreg:$0x0];
	s2 =	stileid.u32  }
0x146: {  	s1 =	rddreg [dreg:$0x1];
	p0 =	sne.s32 s2, $0x0  }
0x147: {  	s3 =	rddreg [dreg:$0x2];
	[bflag:$0x3] =	sbarrier.arrive $0xFFFF;
	s2 =	simm.s32 @!p0 $0x1C04  }
0x148: {  	[timem:s3], [sflag:s2] =	dma.local @!p0 [hbm:s0], s1  }
0x149: {  	s0 =	simm.s32 @!p0 $0x4  }
0x14a: {  	_ =	swait.ge @!p0 [sflag:s0], s1  }
0x14b: {  	s1 =	ssub.s32 @!p0 $0x0, s1;
	[sflag:s0] =	ssyncset.done @!p0 $0x0  }
0x14c: {  	[sflag:s0] =	ssyncadd.s32 @!p0 s1  }
0x14d: {  	[bflag:$0x3] =	sbarrier.arrive $0xFFFF  }
0x14e: {  	_ =	shalt  }

// kernel: kernel.9.cloned.1.call-start
scs
__scs_entry_jumppad:
0x0: {  	(pc) =	sbr.rel $0x88, $3  }
0x1: {  	(tag) =	ssettag $0x0;
	lr =	simm.s32 $0x1  }
0x2: {  	[smem:$0x3F97] =	sst lr;
	_ =	strace $0xD0000000  }
0x3: {  	_ = 	snop  }
0x4: {  	_ = 	snop  }
0x5: {  	_ = 	snop  }
0x6: {  	_ = 	snop  }
0x7: {  	_ = 	snop  }
__scs_overlays_trampoline_lowered:
0x8: {  	[smem:$0x3FA6] =	sst s0  }
0x9: {  	[smem:$0x3FA7] =	sst s1  }
0xa: {  	[smem:$0x3FA8] =	sst s2  }
0xb: {  	[smem:$0x3FA9] =	sst s3  }
0xc: {  	[smem:$0x3FAA] =	sst s4  }
0xd: {  	[smem:$0x3FAB] =	sst s5  }
0xe: {  	[smem:$0x3FAC] =	sst s6  }
0xf: {  	[smem:$0x3FAD] =	sst s7  }
0x10: {  	[smem:$0x3FAE] =	sst s8  }
0x11: {  	[smem:$0x3FAF] =	sst s9;
	s0 =	simm.s32 @!p0 $0x0  }
0x12: {  	s1 =	sld [smem:$0x3F95];
	s0 =	simm.s32 @p0 $0x1  }
0x13: {  	[smem:$0x3FB0] =	sst s0;
	s0 =	simm.s32 @!p1 $0x0  }
0x14: {  	s2 =	sld [smem:$0x3F94];
	s0 =	simm.s32 @p1 $0x1  }
0x15: {  	[smem:$0x3FB1] =	sst s0;
	s0 =	simm.s32 @!p2 $0x0  }
0x16: {  	s3 =	sld [smem:$0x3FDB];
	s0 =	simm.s32 @p2 $0x1  }
0x17: {  	s4 =	simm.s32 $0x1BF5;
	[smem:$0x3FB3] =	sst s0  }
0x18: {  	s0 =	sld [smem:$0x3F96];
	_ =	swait.ge [sflag:s4], $0x0  }
0x19: {  	s7 =	sld [smem:$0x3F97]  }
0x1a: {  	s8 =	sadd.s32 $0xFFFFE003, lr  }
0x1b: {  	s9 =	sadd.s32 $0xFFFFFEF7, lr;
	s5 =	simm.s32 $0xFFFFFFFF;
	p2 =	slt.u32 s8, $0xFFFFF086  }
0x1c: {  	p1 =	slt.u32 s9, $0xF7A;
	s5 =	simm.s32 @!p2 $0x0  }
0x1d: {  	s5 =	simm.s32 @p1 $0x1;
	p0 =	seq.s32 s7, s2  }
0x1e: {  	s7 =	smul.u32 @!p0 $0xF7A, s2;
	p2 =	seq.s32 @!p0 s5, $0x0  }
0x1f: {  	s9 =	smul.u32 $0xF7A, s1;
	s8 =	simm.s32 @!p0 $0x1BF5;
	p2 =	por !p2, p0  }
0x20: {  	[sflag:s8] =	ssyncset.s32 @!p0 $0xFFFFF086;
	s6 =	sadd.s32 @!p0 s3, s7;
	s7 =	simm.s32 @!p0 $0x108  }
0x21: {  	s3 =	sadd.s32 s3, s9;
	s6 =	sadd.s32 @!p0 $0x88, s6;
	s7 =	simm.s32 @p2 $0x1082  }
0x22: {  	[simem:s7], [sflag:s8] =	dma.local @!p0 [hbm:s6], $0xF7A  }
0x23: {  	s9 =	sor.u32 $0xD0000000, s2;
	s6 =	simm.s32 $0x108;
	_ =	swait.ge @!p0 [sflag:s8], $0x0  }
0x24: {  	s3 =	sadd.s32 $0x88, s3;
	s6 =	simm.s32 @!p1 $0x1082;
	[sflag:s4] =	ssyncset.s32 $0xFFFFF086  }
0x25: {  	[simem:s6], [sflag:s4] =	dma.local [hbm:s3], $0xF7A  }
0x26: {  	[smem:$0x3F97] =	sst s1;
	(tag) =	ssettag s2;
	_ =	strace s9  }
0x27: {  	s1 =	sld [smem:$0x3FA7]  }
0x28: {  	s2 =	sld [smem:$0x3FA8]  }
0x29: {  	s4 =	sld [smem:$0x3FAA]  }
0x2a: {  	p0 =	seq.s32 s5, $0x0;
	s5 =	sld [smem:$0x3FAB]  }
0x2b: {  	s6 =	sld [smem:$0x3FAC]  }
0x2c: {  	s7 =	sld [smem:$0x3FAD]  }
0x2d: {  	s3 =	simm.s32 $0x108;
	s8 =	sld [smem:$0x3FAE]  }
0x2e: {  	s3 =	simm.s32 @!p0 $0x1082;
	s9 =	sld [smem:$0x3FAF]  }
0x2f: {  	lr =	sadd.s32 s0, s3;
	s0 =	sld [smem:$0x3FA6]  }
0x30: {  	s3 =	sld [smem:$0x3FA9]  }
0x31: {  	[smem:$0x3FB2] =	sst s10  }
0x32: {  	s10 =	sld [smem:$0x3FB0];
	_ =	sdelay $0x3  }
0x33: {  	p0 =	seq.s32 s10, $0x1;
	s10 =	sld [smem:$0x3FB2];
	_ =	sdelay $0x3  }
0x34: {  	[smem:$0x3FB2] =	sst s10  }
0x35: {  	s10 =	sld [smem:$0x3FB1];
	_ =	sdelay $0x3  }
0x36: {  	p1 =	seq.s32 s10, $0x1;
	s10 =	sld [smem:$0x3FB2];
	_ =	sdelay $0x3  }
0x37: {  	[smem:$0x3FB2] =	sst s10  }
0x38: {  	s10 =	sld [smem:$0x3FB3]  }
0x39: {  	_ = 	snop;
	(pc) =	sbr.ind lr, $3  }
0x3a: {  	_ = 	snop  }
0x3b: {  	_ = 	snop  }
0x3c: {  	p2 =	seq.s32 s10, $0x1;
	s10 =	sld [smem:$0x3FB2]  }
0x3d: {  	_ =	shalt  }
0x3e: {  	_ =	shalt  }
0x3f: {  	_ =	shalt  }
0x40: {  	_ =	shalt  }
0x41: {  	_ =	shalt  }
0x42: {  	_ =	shalt  }
0x43: {  	_ =	shalt  }
0x44: {  	_ =	shalt  }
0x45: {  	_ =	shalt  }
0x46: {  	_ =	shalt  }
0x47: {  	_ =	shalt  }
0x48: {  	_ =	shalt  }
0x49: {  	_ =	shalt  }
0x4a: {  	_ =	shalt  }
0x4b: {  	_ =	shalt  }
0x4c: {  	_ =	shalt  }
0x4d: {  	_ =	shalt  }
0x4e: {  	_ =	shalt  }
0x4f: {  	_ =	shalt  }
0x50: {  	_ =	shalt  }
0x51: {  	_ =	shalt  }
0x52: {  	_ =	shalt  }
0x53: {  	_ =	shalt  }
0x54: {  	_ =	shalt  }
0x55: {  	_ =	shalt  }
0x56: {  	_ =	shalt  }
0x57: {  	_ =	shalt  }
0x58: {  	_ =	shalt  }
0x59: {  	_ =	shalt  }
0x5a: {  	_ =	shalt  }
0x5b: {  	_ =	shalt  }
0x5c: {  	_ =	shalt  }
0x5d: {  	_ =	shalt  }
0x5e: {  	_ =	shalt  }
0x5f: {  	_ =	shalt  }
0x60: {  	_ =	shalt  }
0x61: {  	_ =	shalt  }
0x62: {  	_ =	shalt  }
0x63: {  	_ =	shalt  }
0x64: {  	_ =	shalt  }
0x65: {  	_ =	shalt  }
0x66: {  	_ =	shalt  }
0x67: {  	_ =	shalt  }
0x68: {  	_ =	shalt  }
0x69: {  	_ =	shalt  }
0x6a: {  	_ =	shalt  }
0x6b: {  	_ =	shalt  }
0x6c: {  	_ =	shalt  }
0x6d: {  	_ =	shalt  }
0x6e: {  	_ =	shalt  }
0x6f: {  	_ =	shalt  }
0x70: {  	_ =	shalt  }
0x71: {  	_ =	shalt  }
0x72: {  	_ =	shalt  }
0x73: {  	_ =	shalt  }
0x74: {  	_ =	shalt  }
0x75: {  	_ =	shalt  }
0x76: {  	_ =	shalt  }
0x77: {  	_ =	shalt  }
0x78: {  	_ =	shalt  }
0x79: {  	_ =	shalt  }
0x7a: {  	_ =	shalt  }
0x7b: {  	_ =	shalt  }
0x7c: {  	_ =	shalt  }
0x7d: {  	_ =	shalt  }
0x7e: {  	_ =	shalt  }
0x7f: {  	_ =	shalt  }
0x80: {  	_ =	shalt  }
0x81: {  	_ =	shalt  }
0x82: {  	_ =	shalt  }
0x83: {  	_ =	shalt  }
0x84: {  	_ =	shalt  }
0x85: {  	_ =	shalt  }
0x86: {  	_ =	shalt  }
0x87: {  	_ =	shalt  }
.Lfunc_end0:
.L_simem_size_0:
called_computation.1_lowered:
.L_overlay_start_0:
0x88: {  	s2 =	sld [smem:$0x3FD9]  }
0x89: {  	s3 =	sld [smem:$0x3FFE];
	_ =	sdelay $0x1  }
0x8a: {  	s1 =	srdreg.scid  }
0x8b: {  	s0 =	sand.u32 $0x1, s1  }
0x8c: {  	s17 =	sshll.u32 s0, $0xA;
	s2 =	sadd.s32 s3, s2  }
0x8d: {  	s2 =	sadd.s32 s2, s17  }
0x8e: {  	[smem:$0x3FBE] =	sst s2  }
0x8f: {  	_ = 	snop  }
0x90: {  	s2 =	sld [smem:$0x3FD0];
	(tm) =	ssettm $0x1  }
0x91: {  	s18 =	sld [smem:$0x3FFB];
	_ =	sdelay $0x3  }
0x92: {  	_ =	strace s18  }
0x93: {  	s3 =	sld [smem:$0x3FFC];
	_ =	sdelay $0x3  }
0x94: {  	_ =	strace s3  }
0x95: {  	s3 =	sld [smem:$0x3FFD];
	_ =	sdelay $0x3  }
0x96: {  	_ =	strace s3  }
0x97: {  	_ =	strace $0x8FFFFFFF  }
0x98: {  	s19 =	sld [smem:$0x3FDB];
	_ =	sdelay $0x1  }
0x99: {  	s4 =	simm.s32 $_scs_section_size  }
0x9a: {  	s5 =	simm.s32 $_size__tile_overlayer_lowered;
	s6 =	simm.s32 $_tile_overlayer_lowered  }
0x9b: {  	s22 =	simm.s32 $0x1BFF;
	s21 =	sshll.u32 s6, $0x1;
	s3 =	sadd.s32 s4, s19  }
0x9c: {  	s7 =	simm.s32 $0x0;
	s20 =	sshll.u32 s5, $0x1;
	s5 =	sadd.s32 s21, s3  }
0x9d: {  	[timem:s7], [sflag:s22] =	dma.local [hbm:s5], s20  }
0x9e: {  	_ =	swait.ge [sflag:s22], s20  }
0x9f: {  	s4 =	ssub.s32 $0x0, s20;
	[sflag:s22] =	ssyncset.done $0x0  }
0xa0: {  	[sflag:s22] =	ssyncadd.s32 s4;
	_ =	sdelay $0x1  }
0xa1: {  	s23 =	simm.s32 $0x1B8B  }
0xa2: {  	_ =	swait.ge [sflag:s23], $0x1  }
0xa3: {  	[sflag:s23] =	ssyncset.done $0x0  }
0xa4: {  	s25 =	simm.s32 $0x1B8E;
	s24 =	sld [smem:$0x3FFE];
	[sflag:s23] =	ssyncadd.s32 $0xFFFFFFFF  }
0xa5: {  	s26 =	simm.s32 $execute0_lowered;
	[smem:$0x3FD2] =	sst s25  }
0xa6: {  	s5 =	sshll.u32 s26, $0x1;
	_ =	strace $0x80000049;
	[dreg:$0x1] =	wrdreg $0xFFFFFFFF  }
0xa7: {  	s28 =	simm.s32 $_size_execute0_lowered;
	s3 =	sadd.s32 s3, s5;
	[dreg:$0x0] =	wrdreg $0x0  }
0xa8: {  	s5 =	sshll.u32 s28, $0x1;
	[dreg:$0x2] =	wrdreg s3  }
0xa9: {  	[dreg:$0x3] =	wrdreg s5  }
0xaa: {  	[dreg:$0x4] =	wrdreg $0xC0  }
0xab: {  	_ =	task [dreg:s7], $0x5FFFF  }
0xac: {  	[dreg:$0x1] =	wrdreg $0xFFFFFFFF  }
0xad: {  	[dreg:$0x0] =	wrdreg $0x60  }
0xae: {  	[dreg:$0x2] =	wrdreg s2  }
0xaf: {  	[dreg:$0x3] =	wrdreg s24  }
0xb0: {  	[dreg:$0x4] =	wrdreg $0x9E200  }
0xb1: {  	[dreg:$0x5] =	wrdreg $0x9  }
0xb2: {  	_ =	task.clear_ibuf [dreg:s7], $0x6FFFF;
	_ =	strace $0x90000049  }
0xb3: {  	s29 =	simm.s32 $0x9;
	_ =	strace $0x8000004B  }
0xb4: {  	_ =	swait.ge [sflag:s29], $0x1  }
0xb5: {  	[sflag:s29] =	ssyncadd.s32 $0xFFFFFFFF  }
0xb6: {  	_ =	strace $0x9000004B  }
0xb7: {  	_ =	sfence  }
0xb8: {  	s30 =	sld [smem:$0x0];
	_ =	sdelay $0x2  }
0xb9: {  	s31 =	sshll.u32 s1, $0xD;
	s1 =	sshrl.u32 s1, $0x2  }
0xba: {  	s3 =	sand.u32 $0x4000, s31;
	s1 =	sadd.s32 s1, s30  }
0xbb: {  	s0 =	sor.u32 s3, s0;
	s1 =	sshll.u32 s1, $0x11  }
0xbc: {  	s0 =	sor.u32 s1, s0  }
0xbd: {  	s0 =	sadd.s32 $0x8F2B, s0  }
0xbe: {  	[sflag:s0] =	ssyncadd.remote.s32 $0x1  }
0xbf: {  	_ =	sfence.sel $0xFFFF  }
0xc0: {  	[dreg:$0x0] =	wrdreg $0xFFFFFFFF;
	(pc) =	sbr.abs _section_cstart, $3  }
0xc1: {  	[dreg:$0x1] =	wrdreg $0xFFFFFFFF  }
0xc2: {  	_ =	task.clear_ibuf [dreg:s7], $0x2FFFF;
	_ =	strace $0x9FFFFFFF  }
0xc3: {  	(tm) =	ssettm $0x7FFFFFFF  }
tec
execute0_lowered:
.L_overlay_start_1:
0x0: {  	(tag) =	ssettag $0x1  }
0x1: {  	s1 =	rddreg [dreg:$0x0]  }
0x2: {  	s5 =	rddreg [dreg:$0x1];
	s2 =	srdreg.scid  }
0x3: {  	s0 =	stileid.u32;
	s3 =	rddreg [dreg:$0x2]  }
0x4: {  	s4 =	simm.s32 $0x0;
	s16 =	simm.s32 $0x4E20;
	s17 =	simm.s32 $0x3  }
0x5: {  	s18 =	simm.s32 $0x2710;
	s19 =	simm.s32 $0x50;
	s20 =	simm.s32 $0x7620  }
0x6: {  	s21 =	simm.s32 $0x1;
	s22 =	simm.s32 $0x2;
	s26 =	simm.s32 $0x4DD0  }
0x7: {  	s6 =	sand.u32 $0x1, s2;
	s2 =	rddreg [dreg:$0x3];
	s9 =	smul.u32 $0x14000, s0  }
0x8: {  	s7 =	sshll.u32 s0, $0x1;
	[smem:$0x7FF] =	sst s4;
	s10 =	smul.u32 $0x50000, s0  }
0x9: {  	s7 =	sor.u32 s6, s7;
	s8 =	smul.u32 $0x28000, s6;
	s6 =	ssub.s32 $0x2, s6  }
0xa: {  	_ =	strace $0x8000004A;
	s7 =	smul.u32 $0x4E2, s7;
	s30 =	sshrl.u32 s6, $0x1  }
0xb: {  	s24 =	sshrl.u32 s9, $0x3;
	s31 =	sshrl.u32 s10, $0x2;
	s25 =	sadd.s32 s9, s3  }
0xc: {  	s8 =	sadd.s32 s8, s5;
	s11 =	ssub.s32 s6, s30;
	s25 =	sshrl.u32 s25, $0x3  }
0xd: {  	s7 =	sadd.s32 s7, s5;
	s23 =	sadd.s32 $0x16200, s8;
	s8 =	sadd.s32 s31, s3  }
0xe: {  	s5 =	sadd.s32 $0xC400, s7;
	s6 =	sadd.s32 $0x2600, s7;
	s7 =	smax.u32 s11, $0x1  }
0xf: {  	s9 =	sadd.s32 $0x2800, s8;
	s10 =	sadd.s32 $0x5000, s8;
	s11 =	sadd.s32 $0x7800, s8  }
0x10: {  	s12 =	sadd.s32 $0xA000, s8;
	s13 =	sadd.s32 $0xC800, s8;
	s14 =	sadd.s32 $0xF000, s8  }
0x11: {  	v0 =	vimm.f32 $0.0e+00;
	s15 =	sadd.s32 $0x11800, s8;
	s23 =	sadd.s32 s24, s23;
	s24 =	simm.s32 $0x26C0  }
.LBB2_1:
0x12: {  	s28 =	simm.s32 $0x70;
	s29 =	simm.s32 $0x3C0  }
.LBB2_2:
0x13: {  	p0 =	sne.s32 s29, $0x9FC0;
	[tilespmem:s28+$0x4E20] =	vst v0  }
0x14: {  	[tilespmem:s28+$0x4DB0] =	vst v0  }
0x15: {  	[tilespmem:s28+$0x4DC0] =	vst v0  }
.Ltmp0:
0x16: {  	[tilespmem:s28+$0x4DD0] =	vst v0;
	(pc) =	sbr.rel @p0 .LBB2_2-.Ltmp0, $4  }
0x17: {  	[tilespmem:s28+$0x4DE0] =	vst v0  }
0x18: {  	[tilespmem:s28+$0x4DF0] =	vst v0  }
0x19: {  	[tilespmem:s28+$0x4E00] =	vst v0  }
0x1a: {  	[tilespmem:s28+$0x4E10] =	vst v0;
	s28 =	sshra.s32 s29, $0x2;
	s29 =	sadd.s32 $0x200, s29  }
0x1b: {  	[tilespmem:s28+$0x4E20] =	vst v0  }
0x1c: {  	[tilespmem:s28+$0x4DB0] =	vst v0  }
0x1d: {  	[tilespmem:s28+$0x4DC0] =	vst v0  }
0x1e: {  	[tilespmem:s28+$0x4DD0] =	vst v0  }
0x1f: {  	[tilespmem:s28+$0x4DE0] =	vst v0  }
0x20: {  	[tilespmem:s28+$0x4DF0] =	vst v0  }
0x21: {  	[tilespmem:s28+$0x4E00] =	vst v0  }
0x22: {  	[tilespmem:s28+$0x4E10] =	vst v0  }
0x23: {  	[spmem:s8] =	stream.linear.scatter [tilespmem:s16], [sflag:$0x3], $0x2800, $0x38;
	[tilespmem:$0x1DE20] =	vst v63  }
0x24: {  	_ =	swait.ge [sflag:s17], $0x2800  }
0x25: {  	[sflag:s17] =	ssyncset.done $0x0  }
0x26: {  	[sflag:s17] =	ssyncadd.s32 $0xFFFFD800  }
0x27: {  	[spmem:s9] =	stream.linear.scatter [tilespmem:s16], [sflag:$0x3], $0x2800, $0x38;
	[tilespmem:$0x1DE20] =	vst v63  }
0x28: {  	_ =	swait.ge [sflag:s17], $0x2800  }
0x29: {  	[sflag:s17] =	ssyncset.done $0x0  }
0x2a: {  	[sflag:s17] =	ssyncadd.s32 $0xFFFFD800  }
0x2b: {  	[spmem:s10] =	stream.linear.scatter [tilespmem:s16], [sflag:$0x3], $0x2800, $0x38;
	[tilespmem:$0x1DE20] =	vst v63  }
0x2c: {  	_ =	swait.ge [sflag:s17], $0x2800  }
0x2d: {  	[sflag:s17] =	ssyncset.done $0x0  }
0x2e: {  	[sflag:s17] =	ssyncadd.s32 $0xFFFFD800  }
0x2f: {  	[spmem:s11] =	stream.linear.scatter [tilespmem:s16], [sflag:$0x3], $0x2800, $0x38;
	[tilespmem:$0x1DE20] =	vst v63  }
0x30: {  	_ =	swait.ge [sflag:s17], $0x2800  }
0x31: {  	[sflag:s17] =	ssyncset.done $0x0  }
0x32: {  	[sflag:s17] =	ssyncadd.s32 $0xFFFFD800  }
0x33: {  	[spmem:s12] =	stream.linear.scatter [tilespmem:s16], [sflag:$0x3], $0x2800, $0x38;
	[tilespmem:$0x1DE20] =	vst v63  }
0x34: {  	_ =	swait.ge [sflag:s17], $0x2800  }
0x35: {  	[sflag:s17] =	ssyncset.done $0x0  }
0x36: {  	[sflag:s17] =	ssyncadd.s32 $0xFFFFD800  }
0x37: {  	[spmem:s13] =	stream.linear.scatter [tilespmem:s16], [sflag:$0x3], $0x2800, $0x38;
	[tilespmem:$0x1DE20] =	vst v63  }
0x38: {  	_ =	swait.ge [sflag:s17], $0x2800  }
0x39: {  	[sflag:s17] =	ssyncset.done $0x0  }
0x3a: {  	[sflag:s17] =	ssyncadd.s32 $0xFFFFD800  }
0x3b: {  	[spmem:s14] =	stream.linear.scatter [tilespmem:s16], [sflag:$0x3], $0x2800, $0x38;
	[tilespmem:$0x1DE20] =	vst v63  }
0x3c: {  	_ =	swait.ge [sflag:s17], $0x2800  }
0x3d: {  	[sflag:s17] =	ssyncset.done $0x0  }
0x3e: {  	[sflag:s17] =	ssyncadd.s32 $0xFFFFD800  }
0x3f: {  	[spmem:s15] =	stream.linear.scatter [tilespmem:s16], [sflag:$0x3], $0x2800, $0x38;
	[tilespmem:$0x1DE20] =	vst v63  }
0x40: {  	_ =	swait.ge [sflag:s17], $0x2800  }
0x41: {  	[sflag:s17] =	ssyncset.done $0x0  }
0x42: {  	[sflag:s17] =	ssyncadd.s32 $0xFFFFD800  }
0x43: {  	s28 =	simm.s32 $0x0;
	[bflag:$0x0] =	sbarrier.arrive $0xFFFF  }
0x44: {  	[tilespmem:s28], [sflag:$0x3] =	stream.linear.gather [hbm4b:s5+s28], $0x2710, $0x38;
	[tilespmem:$0x1DE20] =	vst v63  }
0x45: {  	_ =	swait.ge [sflag:s17], $0x2710  }
0x46: {  	[sflag:s17] =	ssyncset.done $0x0  }
0x47: {  	[sflag:s17] =	ssyncadd.s32 $0xFFFFD8F0  }
0x48: {  	[tilespmem:s18], [sflag:$0x3] =	stream.linear.gather [hbm4b:s6+s28], $0x2710, $0x38;
	[tilespmem:$0x1DE20] =	vst v63  }
0x49: {  	_ =	swait.ge [sflag:s17], $0x2710  }
0x4a: {  	[sflag:s17] =	ssyncset.done $0x0  }
0x4b: {  	s28 =	simm.s32 $0x0;
	[sflag:s17] =	ssyncadd.s32 $0xFFFFD8F0  }
0x4c: {  	[tilespmem:s16], [sflag:$0x1] =	stream.indirect.gather [hbm4b:s1+s19], $0x80, s28, s19, $0xb8;
	[tilespmem:$0x1DE20] =	vst v63  }
0x4d: {  	s28 =	simm.s32 $0x50  }
0x4e: {  	[tilespmem:s20], [sflag:$0x2] =	stream.indirect.gather [hbm4b:s1+s19], $0x80, s28, s19, $0xb8;
	[tilespmem:$0x1DE20] =	vst v63  }
0x4f: {  	_ =	swait.ge [sflag:s21], $0x2800  }
0x50: {  	[sflag:s21] =	ssyncset.done $0x0  }
0x51: {  	s28 =	simm.s32 $0x2710;
	[sflag:s21] =	ssyncadd.s32 $0xFFFFD800  }
0x52: {  	[spmem:s3] =	stream.indirect.scatter.add.f32 [tilespmem:s16], [sflag:$0x3], $0x80, s28, s19, $0xb8;
	[tilespmem:$0x1DE20] =	vst v63  }
0x53: {  	_ =	swait.ge [sflag:s17], $0x2800  }
0x54: {  	[sflag:s17] =	ssyncset.done $0x0  }
0x55: {  	[sflag:s17] =	ssyncadd.s32 $0xFFFFD800  }
0x56: {  	_ =	swait.ge [sflag:s22], $0x2800  }
0x57: {  	[sflag:s22] =	ssyncset.done $0x0  }
0x58: {  	s28 =	simm.s32 $0x2760;
	[sflag:s22] =	ssyncadd.s32 $0xFFFFD800  }
0x59: {  	[spmem:s3] =	stream.indirect.scatter.add.f32 [tilespmem:s20], [sflag:$0x3], $0x80, s28, s19, $0xb8;
	[tilespmem:$0x1DE20] =	vst v63  }
0x5a: {  	_ =	swait.ge [sflag:s17], $0x2800  }
0x5b: {  	s29 =	simm.s32 $0x500;
	s28 =	simm.s32 $0x280;
	[sflag:s17] =	ssyncset.done $0x0  }
.LBB2_4:
0x5c: {  	s30 =	sshra.s32 s28, $0x2  }
0x5d: {  	[sflag:s17] =	ssyncadd.s32 $0xFFFFD800;
	s28 =	smov.u32 s29;
	s31 =	sadd.s32 $0x280, s29  }
0x5e: {  	[tilespmem:s16], [sflag:$0x1] =	stream.indirect.gather [hbm4b:s1+s19], $0x80, s30, s19, $0xb8;
	[tilespmem:$0x1DE20] =	vst v63  }
0x5f: {  	p0 =	sne.s32 s29, $0x9880;
	s29 =	sadd.s32 $0x50, s30  }
0x60: {  	[tilespmem:s20], [sflag:$0x2] =	stream.indirect.gather [hbm4b:s1+s19], $0x80, s29, s19, $0xb8;
	[tilespmem:$0x1DE20] =	vst v63  }
0x61: {  	_ =	swait.ge [sflag:s21], $0x2800  }
0x62: {  	[sflag:s21] =	ssyncset.done $0x0  }
0x63: {  	s29 =	sadd.s32 $0x2710, s30;
	[sflag:s21] =	ssyncadd.s32 $0xFFFFD800  }
0x64: {  	[spmem:s3] =	stream.indirect.scatter.add.f32 [tilespmem:s16], [sflag:$0x3], $0x80, s29, s19, $0xb8;
	[tilespmem:$0x1DE20] =	vst v63  }
0x65: {  	_ =	swait.ge [sflag:s17], $0x2800  }
0x66: {  	[sflag:s17] =	ssyncset.done $0x0  }
0x67: {  	[sflag:s17] =	ssyncadd.s32 $0xFFFFD800  }
0x68: {  	_ =	swait.ge [sflag:s22], $0x2800  }
.Ltmp1:
0x69: {  	[sflag:s22] =	ssyncset.done $0x0;
	(pc) =	sbr.rel @p0 .LBB2_4-.Ltmp1, $4  }
0x6a: {  	s29 =	sadd.s32 $0x2760, s30;
	[sflag:s22] =	ssyncadd.s32 $0xFFFFD800  }
0x6b: {  	[spmem:s3] =	stream.indirect.scatter.add.f32 [tilespmem:s20], [sflag:$0x3], $0x80, s29, s19, $0xb8;
	[tilespmem:$0x1DE20] =	vst v63  }
0x6c: {  	_ =	swait.ge [sflag:s17], $0x2800  }
0x6d: {  	s29 =	smov.u32 s31;
	[sflag:s17] =	ssyncset.done $0x0  }
0x6e: {  	s28 =	sshra.s32 s28, $0x2;
	[sflag:s17] =	ssyncadd.s32 $0xFFFFD800  }
0x6f: {  	[tilespmem:s16], [sflag:$0x1] =	stream.indirect.gather [hbm4b:s1+s19], $0x80, s28, s19, $0xb8;
	[tilespmem:$0x1DE20] =	vst v63  }
0x70: {  	s29 =	sadd.s32 $0x50, s28  }
0x71: {  	[tilespmem:s20], [sflag:$0x2] =	stream.indirect.gather [hbm4b:s1+s19], $0x80, s29, s19, $0xb8;
	[tilespmem:$0x1DE20] =	vst v63  }
0x72: {  	_ =	swait.ge [sflag:s21], $0x2800  }
0x73: {  	[sflag:s21] =	ssyncset.done $0x0  }
0x74: {  	s30 =	sadd.s32 $0x2710, s28;
	[sflag:s21] =	ssyncadd.s32 $0xFFFFD800  }
0x75: {  	[spmem:s3] =	stream.indirect.scatter.add.f32 [tilespmem:s16], [sflag:$0x3], $0x80, s30, s19, $0xb8;
	[tilespmem:$0x1DE20] =	vst v63  }
0x76: {  	_ =	swait.ge [sflag:s17], $0x2800  }
0x77: {  	[sflag:s17] =	ssyncset.done $0x0  }
0x78: {  	[sflag:s17] =	ssyncadd.s32 $0xFFFFD800  }
0x79: {  	_ =	swait.ge [sflag:s22], $0x2800  }
0x7a: {  	[sflag:s22] =	ssyncset.done $0x0  }
0x7b: {  	s28 =	sadd.s32 $0x2760, s28;
	[sflag:s22] =	ssyncadd.s32 $0xFFFFD800  }
0x7c: {  	[spmem:s3] =	stream.indirect.scatter.add.f32 [tilespmem:s20], [sflag:$0x3], $0x80, s28, s19, $0xb8;
	[tilespmem:$0x1DE20] =	vst v63  }
0x7d: {  	_ =	swait.ge [sflag:s17], $0x2800  }
0x7e: {  	[sflag:s17] =	ssyncset.done $0x0  }
0x7f: {  	[sflag:s17] =	ssyncadd.s32 $0xFFFFD800  }
0x80: {  	[tilespmem:s16], [sflag:$0x3] =	stream.indirect.gather [hbm4b:s1+s19], $0x80, s24, s19, $0xb8;
	[tilespmem:$0x1DE20] =	vst v63  }
0x81: {  	_ =	swait.ge [sflag:s17], $0x2800  }
0x82: {  	[sflag:s17] =	ssyncset.done $0x0  }
0x83: {  	[sflag:s17] =	ssyncadd.s32 $0xFFFFD800  }
0x84: {  	[spmem:s3] =	stream.indirect.scatter.add.f32 [tilespmem:s16], [sflag:$0x3], $0x80, s26, s19, $0xb8;
	[tilespmem:$0x1DE20] =	vst v63  }
0x85: {  	_ =	swait.ge [sflag:s17], $0x2800  }
0x86: {  	s4 =	sadd.s32 $0x1, s4;
	[sflag:s17] =	ssyncset.done $0x0  }
0x87: {  	s31 =	sshll.u32 s0, $0x6;
	p0 =	sne.s32 s4, s7;
	[sflag:s17] =	ssyncadd.s32 $0xFFFFD800  }
.Ltmp2:
0x88: {  	s28 =	sor.u32 $0x1C03, s31;
	[bflag:$0x0] =	sbarrier.arrive $0xFFFF;
	(pc) =	sbr.rel @p0 .LBB2_1-.Ltmp2, $4  }
0x89: {  	[hbm:s23], [sflag:s28] =	dma.local [spmem:s25], $0x2800  }
0x8a: {  	_ =	swait.ge [sflag:s17], $0x2800  }
0x8b: {  	[sflag:s17] =	ssyncset.done $0x0  }
0x8c: {  	[sflag:s17] =	ssyncadd.s32 $0xFFFFD800  }
0x8d: {  	_ =	sfence.sel $0x180000  }
0x8e: {  	[bflag:$0x0] =	sbarrier.arrive $0xFFFF  }
0x8f: {  	p0 =	sne.s32 s0, $0x0;
	_ =	strace $0x9000004A  }
0x90: {  	s0 =	sadd.s32 @!p0 $0x100000, s2;
	[bflag:$0x2] =	sbarrier.arrive $0xFFFF  }
0x91: {  	[sflag:s0] =	ssyncadd.tile.s32 @!p0 $0x1;
	_ =	shalt  }
.Lfunc_end2:
_tile_overlayer_lowered:
.L_overlay_start_2:
0x92: {  	(tag) =	ssettag $0x2  }
0x93: {  	s0 =	rddreg [dreg:$0x0];
	s2 =	stileid.u32  }
0x94: {  	s1 =	rddreg [dreg:$0x1];
	p0 =	sne.s32 s2, $0x0  }
0x95: {  	s3 =	rddreg [dreg:$0x2];
	[bflag:$0x3] =	sbarrier.arrive $0xFFFF;
	s2 =	simm.s32 @!p0 $0x1C03  }
0x96: {  	[timem:s3], [sflag:s2] =	dma.local @!p0 [hbm:s0], s1  }
0x97: {  	s0 =	simm.s32 @!p0 $0x3  }
0x98: {  	_ =	swait.ge @!p0 [sflag:s0], s1  }
0x99: {  	s1 =	ssub.s32 @!p0 $0x0, s1;
	[sflag:s0] =	ssyncset.done @!p0 $0x0  }
0x9a: {  	[sflag:s0] =	ssyncadd.s32 @!p0 s1  }
0x9b: {  	[bflag:$0x3] =	sbarrier.arrive $0xFFFF  }
0x9c: {  	_ =	shalt  }

</sc_bundles>
